<compile_context>
chip_gen: v7x
topology: tpu7x:2x2x1
jax: 0.10.2.dev20260603
libtpu: 0.0.44.dev20260713+nightly
codegen_flags: <defaults>
</compile_context>

<pallas_src>
import functools

import jax
import jax.numpy as jnp
from jax import lax
from jax.experimental import pallas as pl
from jax.experimental.pallas import tpu as pltpu
from jax.experimental.pallas import tpu_sc as plsc

_SLABS = 8


def _sc_gather(table, idx):
    (n,) = idx.shape
    info = plsc.get_sparse_core_info()
    nw = info.num_subcores
    b_per_w = n // nw
    mesh = plsc.VectorSubcoreMesh(
        core_axis_name="c", subcore_axis_name="s", num_cores=1)

    @functools.partial(
        pl.kernel,
        mesh=mesh,
        out_type=jax.ShapeDtypeStruct((n,), jnp.float32),
        scratch_types=[
            pltpu.VMEM((b_per_w,), jnp.int32),
            pltpu.VMEM((b_per_w,), jnp.float32),
            pltpu.SemaphoreType.DMA,
        ],
    )
    def k(table_hbm, idx_hbm, out_hbm, idx_v, rows_v, sem):
        wid = lax.axis_index("s")
        base = wid * b_per_w
        pltpu.sync_copy(idx_hbm.at[pl.ds(base, b_per_w)], idx_v)
        pltpu.async_copy(table_hbm.at[idx_v], rows_v, sem).wait()
        pltpu.sync_copy(rows_v, out_hbm.at[pl.ds(base, b_per_w)])

    return k(table, idx)


def _dense_body(u_hbm, p_hbm, t_hbm, b1_ref, b2_ref, o_ref, ub, pb, tb, sems):
    eb = ub.shape[0]
    rows = eb // _SLABS
    b1 = b1_ref[...]
    b2 = b2_ref[...]
    w1 = b1 * b1
    w2 = b2 * b2

    def slab_copies(i):
        sl = pl.ds(i * rows, rows)
        return (
            pltpu.make_async_copy(u_hbm.at[sl], ub.at[sl], sems.at[0, i]),
            pltpu.make_async_copy(p_hbm.at[sl], pb.at[sl], sems.at[1, i]),
            pltpu.make_async_copy(t_hbm.at[sl], tb.at[sl], sems.at[2, i]),
        )

    for i in range(_SLABS):
        for c in slab_copies(i):
            c.start()
    for i in range(_SLABS):
        for c in slab_copies(i):
            c.wait()
        sl = pl.ds(i * rows, rows)
        t = tb[sl]
        d1 = ub[sl] - t
        d2 = pb[sl] - t
        w1c = w1[i * rows:(i + 1) * rows].reshape(rows, 1)
        w2c = w2[i * rows:(i + 1) * rows].reshape(rows, 1)
        sq = d1 * d1 * w1c + d2 * d2 * w2c
        partial = jnp.sum(sq, axis=0)
        if i == 0:
            o_ref[...] = partial
        else:
            o_ref[...] += partial


def _add_body(a_ref, b_ref, o_ref):
    o_ref[...] = a_ref[...] + b_ref[...]


def kernel(user_ebs, playlist_ebs, track_ebs, track_entity_ids, B1, B2, track_biases):
    batch, eb = user_ebs.shape
    bias = _sc_gather(track_biases, track_entity_ids.astype(jnp.int32))

    o12 = pl.pallas_call(
        _dense_body,
        in_specs=[
            pl.BlockSpec(memory_space=pltpu.MemorySpace.HBM),
            pl.BlockSpec(memory_space=pltpu.MemorySpace.HBM),
            pl.BlockSpec(memory_space=pltpu.MemorySpace.HBM),
            pl.BlockSpec((eb,), lambda: (0,)),
            pl.BlockSpec((eb,), lambda: (0,)),
        ],
        out_specs=pl.BlockSpec((batch,), lambda: (0,)),
        out_shape=jax.ShapeDtypeStruct((batch,), jnp.float32),
        scratch_shapes=[
            pltpu.VMEM((eb, batch), jnp.float32),
            pltpu.VMEM((eb, batch), jnp.float32),
            pltpu.VMEM((eb, batch), jnp.float32),
            pltpu.SemaphoreType.DMA((3, _SLABS)),
        ],
    )(user_ebs.T, playlist_ebs.T, track_ebs.T, B1, B2)

    out = pl.pallas_call(
        _add_body,
        in_specs=[
            pl.BlockSpec((batch,), lambda: (0,)),
            pl.BlockSpec((batch,), lambda: (0,)),
        ],
        out_specs=pl.BlockSpec((batch,), lambda: (0,)),
        out_shape=jax.ShapeDtypeStruct((batch,), jnp.float32),
    )(o12, bias)
    return out

# --- scband reference (transcript-rebuilt; emitter-appended) ---
"""Pipeline reference for scband-mdr-30940944401035 (READ-ONLY COPY).

The authoritative reference and input builder live on the scoring server;
editing this copy changes nothing except your own understanding.
"""

import jax, jax.numpy as jnp
import numpy as np

EB_SIZE = 64
TRACK_NUM = 1000000
BATCH = 16384

def setup_inputs(seed: int = 0) -> dict:
    key = jax.random.key(seed)
    k1, k2, k3, k4, k5, k6, k7 = jax.random.split(key, 7)
    user_ebs = jax.random.normal(k1, (BATCH, EB_SIZE), dtype=jnp.float32)
    playlist_ebs = jax.random.normal(k2, (BATCH, EB_SIZE), dtype=jnp.float32)
    track_ebs = jax.random.normal(k3, (BATCH, EB_SIZE), dtype=jnp.float32)
    track_entity_ids = jax.random.randint(k4, (BATCH,), 0, TRACK_NUM, dtype=jnp.int64) if jax.config.read('jax_enable_x64') else jax.random.randint(k4, (BATCH,), 0, TRACK_NUM, dtype=jnp.int32)
    # Learned parameters (random_normal initializer)
    B1 = jax.random.normal(k5, (EB_SIZE,), dtype=jnp.float32)
    B2 = jax.random.normal(k6, (EB_SIZE,), dtype=jnp.float32)
    track_biases = jax.random.normal(k7, (TRACK_NUM,), dtype=jnp.float32)
    return {
        'user_ebs': user_ebs,
        'playlist_ebs': playlist_ebs,
        'track_ebs': track_ebs,
        'track_entity_ids': track_entity_ids,
        'B1': B1,
        'B2': B2,
        'track_biases': track_biases,
    }

def _get_output(delta, B):
    B_delta = B * delta
    square = jnp.square(B_delta)
    return jnp.sum(square, axis=-1)

def reference(user_ebs, playlist_ebs, track_ebs, track_entity_ids, B1, B2, track_biases):
    delta_ut = user_ebs - track_ebs
    delta_pt = playlist_ebs - track_ebs
    o1 = _get_output(delta_ut, B1)
    o2 = _get_output(delta_pt, B2)
    track_bias = jnp.take(track_biases, track_entity_ids, axis=0)
    return o1 + o2 + track_bias

if __name__ == "__main__":
    import jax
    _d = setup_inputs()
    print(jax.jit(kernel)(*tuple(_d.values())))

</pallas_src>

<mosaic_0001>
#map = affine_map<(d0, d1) -> (0)>
module attributes {stable_mosaic.version = 14 : i64} {
  func.func @k(%arg0: i32, %arg1: i32, %arg2: memref<1000000xf32, #tpu.memory_space<hbm>>, %arg3: memref<16384xi32, #tpu.memory_space<hbm>>, %arg4: memref<16384xf32, #tpu.memory_space<hbm>>, %arg5: memref<1024xi32, #tpu.memory_space<vmem>>, %arg6: memref<1024xf32, #tpu.memory_space<vmem>>, %arg7: memref<!tpu.dma_semaphore, #tpu.memory_space<semaphore_mem>>) attributes {dimension_semantics = [#tpu.dimension_semantics<core_parallel>, #tpu.dimension_semantics<subcore_parallel>], iteration_bounds = array<i64: 1, 16>, scalar_prefetch = 0 : i64, scratch_operands = 3 : i64, tpu.core_type = #tpu.core_type<sc_vector_subcore>, window_params = [{transform_indices = #map}, {transform_indices = #map}, {transform_indices = #map}]} {
    %mul3A = arith.constant 1024 : i32
    %mul3A_0 = arith.muli %arg1, %mul3A : i32
    "tpu.region"() ({
      %run_scoped3A = tpu.sem_alloc : memref<!tpu.dma_semaphore, #tpu.memory_space<semaphore_mem>>
      %dma_start3A_3 = tpu.memref_slice %arg3[%mul3A_0] : memref<16384xi32, #tpu.memory_space<hbm>> -> memref<1024xi32, #tpu.memory_space<hbm>>
      %dma_start3A_4 = tpu.memref_slice %arg3[%mul3A_0] : memref<16384xi32, #tpu.memory_space<hbm>> -> memref<1024xi32, #tpu.memory_space<hbm>>
      tpu.enqueue_dma source(%dma_start3A_4 : memref<1024xi32, #tpu.memory_space<hbm>>) target(%arg5 : memref<1024xi32, #tpu.memory_space<vmem>>) target_semaphore(%run_scoped3A : memref<!tpu.dma_semaphore, #tpu.memory_space<semaphore_mem>>)
      %dma_wait3A_5 = tpu.memref_slice %arg3[%mul3A_0] : memref<16384xi32, #tpu.memory_space<hbm>> -> memref<1024xi32, #tpu.memory_space<hbm>>
      %dma_wait3A_6 = tpu.memref_slice %arg3[%mul3A_0] : memref<16384xi32, #tpu.memory_space<hbm>> -> memref<1024xi32, #tpu.memory_space<hbm>>
      tpu.wait_dma2 semaphore(%run_scoped3A : memref<!tpu.dma_semaphore, #tpu.memory_space<semaphore_mem>>) src(%dma_wait3A_6 : memref<1024xi32, #tpu.memory_space<hbm>>) dst(%arg5 : memref<1024xi32, #tpu.memory_space<vmem>>)
      tpu.yield
    }) : () -> ()
    %dma_start3A = arith.constant 0 : i32
    %dma_start3A_1 = tpu.memref_slice %arg2[%dma_start3A] : memref<1000000xf32, #tpu.memory_space<hbm>> -> memref<1000000xf32, #tpu.memory_space<hbm>>
    tpu.enqueue_indirect_dma source(%dma_start3A_1 : memref<1000000xf32, #tpu.memory_space<hbm>>) target(%arg6 : memref<1024xf32, #tpu.memory_space<vmem>>) offsets(%arg5 : memref<1024xi32, #tpu.memory_space<vmem>>) semaphore(%arg7 : memref<!tpu.dma_semaphore, #tpu.memory_space<semaphore_mem>>)
    %dma_wait3A = arith.constant 0 : i32
    %dma_wait3A_2 = tpu.memref_slice %arg2[%dma_wait3A] : memref<1000000xf32, #tpu.memory_space<hbm>> -> memref<1000000xf32, #tpu.memory_space<hbm>>
    tpu.wait_indirect_dma semaphore(%arg7 : memref<!tpu.dma_semaphore, #tpu.memory_space<semaphore_mem>>) src(%dma_wait3A_2 : memref<1000000xf32, #tpu.memory_space<hbm>>) dst(%arg6 : memref<1024xf32, #tpu.memory_space<vmem>>)
    "tpu.region"() ({
      %run_scoped3A = tpu.sem_alloc : memref<!tpu.dma_semaphore, #tpu.memory_space<semaphore_mem>>
      %dma_start3A_3 = tpu.memref_slice %arg4[%mul3A_0] : memref<16384xf32, #tpu.memory_space<hbm>> -> memref<1024xf32, #tpu.memory_space<hbm>>
      %dma_start3A_4 = tpu.memref_slice %arg4[%mul3A_0] : memref<16384xf32, #tpu.memory_space<hbm>> -> memref<1024xf32, #tpu.memory_space<hbm>>
      tpu.enqueue_dma source(%arg6 : memref<1024xf32, #tpu.memory_space<vmem>>) target(%dma_start3A_4 : memref<1024xf32, #tpu.memory_space<hbm>>) target_semaphore(%run_scoped3A : memref<!tpu.dma_semaphore, #tpu.memory_space<semaphore_mem>>)
      %dma_wait3A_5 = tpu.memref_slice %arg4[%mul3A_0] : memref<16384xf32, #tpu.memory_space<hbm>> -> memref<1024xf32, #tpu.memory_space<hbm>>
      %dma_wait3A_6 = tpu.memref_slice %arg4[%mul3A_0] : memref<16384xf32, #tpu.memory_space<hbm>> -> memref<1024xf32, #tpu.memory_space<hbm>>
      tpu.wait_dma2 semaphore(%run_scoped3A : memref<!tpu.dma_semaphore, #tpu.memory_space<semaphore_mem>>) src(%arg6 : memref<1024xf32, #tpu.memory_space<vmem>>) dst(%dma_wait3A_6 : memref<1024xf32, #tpu.memory_space<hbm>>)
      tpu.yield
    }) : () -> ()
    return
  }
}

module attributes {stable_mosaic.version = 14 : i64} {
  func.func @_add_body(%arg0: memref<16384xf32, #tpu.memory_space<vmem>>, %arg1: memref<16384xf32, #tpu.memory_space<vmem>>, %arg2: memref<16384xf32, #tpu.memory_space<vmem>>) attributes {dimension_semantics = [], scalar_prefetch = 0 : i64, scratch_operands = 0 : i64, tpu.core_type = #tpu.core_type<tc>} {
    %get3A = arith.constant 0 : index
    %get3A_0 = vector.load %arg0[%get3A] : memref<16384xf32, #tpu.memory_space<vmem>>, vector<16384xf32>
    %get3A_1 = arith.constant 0 : index
    %get3A_2 = vector.load %arg1[%get3A_1] : memref<16384xf32, #tpu.memory_space<vmem>>, vector<16384xf32>
    %add3A = arith.addf %get3A_0, %get3A_2 : vector<16384xf32>
    %swap3A = arith.constant 0 : index
    %swap3A_3 = vector.load %arg2[%swap3A] : memref<16384xf32, #tpu.memory_space<vmem>>, vector<16384xf32>
    tpu.vector_store %arg2[%swap3A], %add3A {strides = array<i32>} : memref<16384xf32, #tpu.memory_space<vmem>>, vector<16384xf32>,
    return
  }
}

module attributes {stable_mosaic.version = 14 : i64} {
  func.func @_dense_body(%arg0: memref<64x16384xf32, #tpu.memory_space<hbm>>, %arg1: memref<64x16384xf32, #tpu.memory_space<hbm>>, %arg2: memref<64x16384xf32, #tpu.memory_space<hbm>>, %arg3: memref<64xf32, #tpu.memory_space<vmem>>, %arg4: memref<64xf32, #tpu.memory_space<vmem>>, %arg5: memref<16384xf32, #tpu.memory_space<vmem>>, %arg6: memref<64x16384xf32, #tpu.memory_space<vmem>>, %arg7: memref<64x16384xf32, #tpu.memory_space<vmem>>, %arg8: memref<64x16384xf32, #tpu.memory_space<vmem>>, %arg9: memref<3x8x!tpu.dma_semaphore, #tpu.memory_space<semaphore_mem>>) attributes {dimension_semantics = [], scalar_prefetch = 0 : i64, scratch_operands = 4 : i64, tpu.core_type = #tpu.core_type<tc>} {
    %get3A = arith.constant 0 : index
    %get3A_0 = vector.load %arg3[%get3A] : memref<64xf32, #tpu.memory_space<vmem>>, vector<64xf32>
    %get3A_1 = arith.constant 0 : index
    %get3A_2 = vector.load %arg4[%get3A_1] : memref<64xf32, #tpu.memory_space<vmem>>, vector<64xf32>
    %mul3A = arith.mulf %get3A_0, %get3A_0 : vector<64xf32>
    %mul3A_3 = arith.mulf %get3A_2, %get3A_2 : vector<64xf32>
    %dma_start3A = arith.constant 0 : i32
    %dma_start3A_4 = arith.constant 0 : i32
    %dma_start3A_5 = tpu.memref_slice %arg9[%dma_start3A, %dma_start3A_4] : memref<3x8x!tpu.dma_semaphore, #tpu.memory_space<semaphore_mem>> -> memref<1x1x!tpu.dma_semaphore, #tpu.memory_space<semaphore_mem>>
    %dma_start3A_6 = tpu.memref_squeeze %dma_start3A_5 : memref<1x1x!tpu.dma_semaphore, #tpu.memory_space<semaphore_mem>> -> memref<!tpu.dma_semaphore, #tpu.memory_space<semaphore_mem>>
    %dma_start3A_7 = arith.constant 0 : i32
    %dma_start3A_8 = arith.constant 0 : i32
    %dma_start3A_9 = tpu.memref_slice %arg6[%dma_start3A_7, %dma_start3A_8] : memref<64x16384xf32, #tpu.memory_space<vmem>> -> memref<8x16384xf32, #tpu.memory_space<vmem>>
    %dma_start3A_10 = arith.constant 0 : i32
    %dma_start3A_11 = arith.constant 0 : i32
    %dma_start3A_12 = tpu.memref_slice %arg0[%dma_start3A_10, %dma_start3A_11] : memref<64x16384xf32, #tpu.memory_space<hbm>> -> memref<8x16384xf32, #tpu.memory_space<hbm>>
    tpu.enqueue_dma source(%dma_start3A_12 : memref<8x16384xf32, #tpu.memory_space<hbm>>) target(%dma_start3A_9 : memref<8x16384xf32, #tpu.memory_space<vmem>>) target_semaphore(%dma_start3A_6 : memref<!tpu.dma_semaphore, #tpu.memory_space<semaphore_mem>>)
    %dma_start3A_13 = arith.constant 1 : i32
    %dma_start3A_14 = arith.constant 0 : i32
    %dma_start3A_15 = tpu.memref_slice %arg9[%dma_start3A_13, %dma_start3A_14] : memref<3x8x!tpu.dma_semaphore, #tpu.memory_space<semaphore_mem>> -> memref<1x1x!tpu.dma_semaphore, #tpu.memory_space<semaphore_mem>>
    %dma_start3A_16 = tpu.memref_squeeze %dma_start3A_15 : memref<1x1x!tpu.dma_semaphore, #tpu.memory_space<semaphore_mem>> -> memref<!tpu.dma_semaphore, #tpu.memory_space<semaphore_mem>>
    %dma_start3A_17 = arith.constant 0 : i32
    %dma_start3A_18 = arith.constant 0 : i32
    %dma_start3A_19 = tpu.memref_slice %arg7[%dma_start3A_17, %dma_start3A_18] : memref<64x16384xf32, #tpu.memory_space<vmem>> -> memref<8x16384xf32, #tpu.memory_space<vmem>>
    %dma_start3A_20 = arith.constant 0 : i32
    %dma_start3A_21 = arith.constant 0 : i32
    %dma_start3A_22 = tpu.memref_slice %arg1[%dma_start3A_20, %dma_start3A_21] : memref<64x16384xf32, #tpu.memory_space<hbm>> -> memref<8x16384xf32, #tpu.memory_space<hbm>>
    tpu.enqueue_dma source(%dma_start3A_22 : memref<8x16384xf32, #tpu.memory_space<hbm>>) target(%dma_start3A_19 : memref<8x16384xf32, #tpu.memory_space<vmem>>) target_semaphore(%dma_start3A_16 : memref<!tpu.dma_semaphore, #tpu.memory_space<semaphore_mem>>)
    %dma_start3A_23 = arith.constant 2 : i32
    %dma_start3A_24 = arith.constant 0 : i32
    %dma_start3A_25 = tpu.memref_slice %arg9[%dma_start3A_23, %dma_start3A_24] : memref<3x8x!tpu.dma_semaphore, #tpu.memory_space<semaphore_mem>> -> memref<1x1x!tpu.dma_semaphore, #tpu.memory_space<semaphore_mem>>
    %dma_start3A_26 = tpu.memref_squeeze %dma_start3A_25 : memref<1x1x!tpu.dma_semaphore, #tpu.memory_space<semaphore_mem>> -> memref<!tpu.dma_semaphore, #tpu.memory_space<semaphore_mem>>
    %dma_start3A_27 = arith.constant 0 : i32
    %dma_start3A_28 = arith.constant 0 : i32
    %dma_start3A_29 = tpu.memref_slice %arg8[%dma_start3A_27, %dma_start3A_28] : memref<64x16384xf32, #tpu.memory_space<vmem>> -> memref<8x16384xf32, #tpu.memory_space<vmem>>
    %dma_start3A_30 = arith.constant 0 : i32
    %dma_start3A_31 = arith.constant 0 : i32
    %dma_start3A_32 = tpu.memref_slice %arg2[%dma_start3A_30, %dma_start3A_31] : memref<64x16384xf32, #tpu.memory_space<hbm>> -> memref<8x16384xf32, #tpu.memory_space<hbm>>
    tpu.enqueue_dma source(%dma_start3A_32 : memref<8x16384xf32, #tpu.memory_space<hbm>>) target(%dma_start3A_29 : memref<8x16384xf32, #tpu.memory_space<vmem>>) target_semaphore(%dma_start3A_26 : memref<!tpu.dma_semaphore, #tpu.memory_space<semaphore_mem>>)
    %dma_start3A_33 = arith.constant 0 : i32
    %dma_start3A_34 = arith.constant 1 : i32
    %dma_start3A_35 = tpu.memref_slice %arg9[%dma_start3A_33, %dma_start3A_34] : memref<3x8x!tpu.dma_semaphore, #tpu.memory_space<semaphore_mem>> -> memref<1x1x!tpu.dma_semaphore, #tpu.memory_space<semaphore_mem>>
    %dma_start3A_36 = tpu.memref_squeeze %dma_start3A_35 : memref<1x1x!tpu.dma_semaphore, #tpu.memory_space<semaphore_mem>> -> memref<!tpu.dma_semaphore, #tpu.memory_space<semaphore_mem>>
    %dma_start3A_37 = arith.constant 8 : i32
    %dma_start3A_38 = arith.constant 0 : i32
    %dma_start3A_39 = tpu.memref_slice %arg6[%dma_start3A_37, %dma_start3A_38] : memref<64x16384xf32, #tpu.memory_space<vmem>> -> memref<8x16384xf32, #tpu.memory_space<vmem>>
    %dma_start3A_40 = arith.constant 8 : i32
    %dma_start3A_41 = arith.constant 0 : i32
    %dma_start3A_42 = tpu.memref_slice %arg0[%dma_start3A_40, %dma_start3A_41] : memref<64x16384xf32, #tpu.memory_space<hbm>> -> memref<8x16384xf32, #tpu.memory_space<hbm>>
    tpu.enqueue_dma source(%dma_start3A_42 : memref<8x16384xf32, #tpu.memory_space<hbm>>) target(%dma_start3A_39 : memref<8x16384xf32, #tpu.memory_space<vmem>>) target_semaphore(%dma_start3A_36 : memref<!tpu.dma_semaphore, #tpu.memory_space<semaphore_mem>>)
    %dma_start3A_43 = arith.constant 1 : i32
    %dma_start3A_44 = arith.constant 1 : i32
    %dma_start3A_45 = tpu.memref_slice %arg9[%dma_start3A_43, %dma_start3A_44] : memref<3x8x!tpu.dma_semaphore, #tpu.memory_space<semaphore_mem>> -> memref<1x1x!tpu.dma_semaphore, #tpu.memory_space<semaphore_mem>>
    %dma_start3A_46 = tpu.memref_squeeze %dma_start3A_45 : memref<1x1x!tpu.dma_semaphore, #tpu.memory_space<semaphore_mem>> -> memref<!tpu.dma_semaphore, #tpu.memory_space<semaphore_mem>>
    %dma_start3A_47 = arith.constant 8 : i32
    %dma_start3A_48 = arith.constant 0 : i32
    %dma_start3A_49 = tpu.memref_slice %arg7[%dma_start3A_47, %dma_start3A_48] : memref<64x16384xf32, #tpu.memory_space<vmem>> -> memref<8x16384xf32, #tpu.memory_space<vmem>>
    %dma_start3A_50 = arith.constant 8 : i32
    %dma_start3A_51 = arith.constant 0 : i32
    %dma_start3A_52 = tpu.memref_slice %arg1[%dma_start3A_50, %dma_start3A_51] : memref<64x16384xf32, #tpu.memory_space<hbm>> -> memref<8x16384xf32, #tpu.memory_space<hbm>>
    tpu.enqueue_dma source(%dma_start3A_52 : memref<8x16384xf32, #tpu.memory_space<hbm>>) target(%dma_start3A_49 : memref<8x16384xf32, #tpu.memory_space<vmem>>) target_semaphore(%dma_start3A_46 : memref<!tpu.dma_semaphore, #tpu.memory_space<semaphore_mem>>)
    %dma_start3A_53 = arith.constant 2 : i32
    %dma_start3A_54 = arith.constant 1 : i32
    %dma_start3A_55 = tpu.memref_slice %arg9[%dma_start3A_53, %dma_start3A_54] : memref<3x8x!tpu.dma_semaphore, #tpu.memory_space<semaphore_mem>> -> memref<1x1x!tpu.dma_semaphore, #tpu.memory_space<semaphore_mem>>
    %dma_start3A_56 = tpu.memref_squeeze %dma_start3A_55 : memref<1x1x!tpu.dma_semaphore, #tpu.memory_space<semaphore_mem>> -> memref<!tpu.dma_semaphore, #tpu.memory_space<semaphore_mem>>
    %dma_start3A_57 = arith.constant 8 : i32
    %dma_start3A_58 = arith.constant 0 : i32
    %dma_start3A_59 = tpu.memref_slice %arg8[%dma_start3A_57, %dma_start3A_58] : memref<64x16384xf32, #tpu.memory_space<vmem>> -> memref<8x16384xf32, #tpu.memory_space<vmem>>
    %dma_start3A_60 = arith.constant 8 : i32
    %dma_start3A_61 = arith.constant 0 : i32
    %dma_start3A_62 = tpu.memref_slice %arg2[%dma_start3A_60, %dma_start3A_61] : memref<64x16384xf32, #tpu.memory_space<hbm>> -> memref<8x16384xf32, #tpu.memory_space<hbm>>
    tpu.enqueue_dma source(%dma_start3A_62 : memref<8x16384xf32, #tpu.memory_space<hbm>>) target(%dma_start3A_59 : memref<8x16384xf32, #tpu.memory_space<vmem>>) target_semaphore(%dma_start3A_56 : memref<!tpu.dma_semaphore, #tpu.memory_space<semaphore_mem>>)
    %dma_start3A_63 = arith.constant 0 : i32
    %dma_start3A_64 = arith.constant 2 : i32
    %dma_start3A_65 = tpu.memref_slice %arg9[%dma_start3A_63, %dma_start3A_64] : memref<3x8x!tpu.dma_semaphore, #tpu.memory_space<semaphore_mem>> -> memref<1x1x!tpu.dma_semaphore, #tpu.memory_space<semaphore_mem>>
    %dma_start3A_66 = tpu.memref_squeeze %dma_start3A_65 : memref<1x1x!tpu.dma_semaphore, #tpu.memory_space<semaphore_mem>> -> memref<!tpu.dma_semaphore, #tpu.memory_space<semaphore_mem>>
    %dma_start3A_67 = arith.constant 16 : i32
    %dma_start3A_68 = arith.constant 0 : i32
    %dma_start3A_69 = tpu.memref_slice %arg6[%dma_start3A_67, %dma_start3A_68] : memref<64x16384xf32, #tpu.memory_space<vmem>> -> memref<8x16384xf32, #tpu.memory_space<vmem>>
    %dma_start3A_70 = arith.constant 16 : i32
    %dma_start3A_71 = arith.constant 0 : i32
    %dma_start3A_72 = tpu.memref_slice %arg0[%dma_start3A_70, %dma_start3A_71] : memref<64x16384xf32, #tpu.memory_space<hbm>> -> memref<8x16384xf32, #tpu.memory_space<hbm>>
    tpu.enqueue_dma source(%dma_start3A_72 : memref<8x16384xf32, #tpu.memory_space<hbm>>) target(%dma_start3A_69 : memref<8x16384xf32, #tpu.memory_space<vmem>>) target_semaphore(%dma_start3A_66 : memref<!tpu.dma_semaphore, #tpu.memory_space<semaphore_mem>>)
    %dma_start3A_73 = arith.constant 1 : i32
    %dma_start3A_74 = arith.constant 2 : i32
    %dma_start3A_75 = tpu.memref_slice %arg9[%dma_start3A_73, %dma_start3A_74] : memref<3x8x!tpu.dma_semaphore, #tpu.memory_space<semaphore_mem>> -> memref<1x1x!tpu.dma_semaphore, #tpu.memory_space<semaphore_mem>>
    %dma_start3A_76 = tpu.memref_squeeze %dma_start3A_75 : memref<1x1x!tpu.dma_semaphore, #tpu.memory_space<semaphore_mem>> -> memref<!tpu.dma_semaphore, #tpu.memory_space<semaphore_mem>>
    %dma_start3A_77 = arith.constant 16 : i32
    %dma_start3A_78 = arith.constant 0 : i32
    %dma_start3A_79 = tpu.memref_slice %arg7[%dma_start3A_77, %dma_start3A_78] : memref<64x16384xf32, #tpu.memory_space<vmem>> -> memref<8x16384xf32, #tpu.memory_space<vmem>>
    %dma_start3A_80 = arith.constant 16 : i32
    %dma_start3A_81 = arith.constant 0 : i32
    %dma_start3A_82 = tpu.memref_slice %arg1[%dma_start3A_80, %dma_start3A_81] : memref<64x16384xf32, #tpu.memory_space<hbm>> -> memref<8x16384xf32, #tpu.memory_space<hbm>>
    tpu.enqueue_dma source(%dma_start3A_82 : memref<8x16384xf32, #tpu.memory_space<hbm>>) target(%dma_start3A_79 : memref<8x16384xf32, #tpu.memory_space<vmem>>) target_semaphore(%dma_start3A_76 : memref<!tpu.dma_semaphore, #tpu.memory_space<semaphore_mem>>)
    %dma_start3A_83 = arith.constant 2 : i32
    %dma_start3A_84 = arith.constant 2 : i32
    %dma_start3A_85 = tpu.memref_slice %arg9[%dma_start3A_83, %dma_start3A_84] : memref<3x8x!tpu.dma_semaphore, #tpu.memory_space<semaphore_mem>> -> memref<1x1x!tpu.dma_semaphore, #tpu.memory_space<semaphore_mem>>
    %dma_start3A_86 = tpu.memref_squeeze %dma_start3A_85 : memref<1x1x!tpu.dma_semaphore, #tpu.memory_space<semaphore_mem>> -> memref<!tpu.dma_semaphore, #tpu.memory_space<semaphore_mem>>
    %dma_start3A_87 = arith.constant 16 : i32
    %dma_start3A_88 = arith.constant 0 : i32
    %dma_start3A_89 = tpu.memref_slice %arg8[%dma_start3A_87, %dma_start3A_88] : memref<64x16384xf32, #tpu.memory_space<vmem>> -> memref<8x16384xf32, #tpu.memory_space<vmem>>
    %dma_start3A_90 = arith.constant 16 : i32
    %dma_start3A_91 = arith.constant 0 : i32
    %dma_start3A_92 = tpu.memref_slice %arg2[%dma_start3A_90, %dma_start3A_91] : memref<64x16384xf32, #tpu.memory_space<hbm>> -> memref<8x16384xf32, #tpu.memory_space<hbm>>
    tpu.enqueue_dma source(%dma_start3A_92 : memref<8x16384xf32, #tpu.memory_space<hbm>>) target(%dma_start3A_89 : memref<8x16384xf32, #tpu.memory_space<vmem>>) target_semaphore(%dma_start3A_86 : memref<!tpu.dma_semaphore, #tpu.memory_space<semaphore_mem>>)
    %dma_start3A_93 = arith.constant 0 : i32
    %dma_start3A_94 = arith.constant 3 : i32
    %dma_start3A_95 = tpu.memref_slice %arg9[%dma_start3A_93, %dma_start3A_94] : memref<3x8x!tpu.dma_semaphore, #tpu.memory_space<semaphore_mem>> -> memref<1x1x!tpu.dma_semaphore, #tpu.memory_space<semaphore_mem>>
    %dma_start3A_96 = tpu.memref_squeeze %dma_start3A_95 : memref<1x1x!tpu.dma_semaphore, #tpu.memory_space<semaphore_mem>> -> memref<!tpu.dma_semaphore, #tpu.memory_space<semaphore_mem>>
    %dma_start3A_97 = arith.constant 24 : i32
    %dma_start3A_98 = arith.constant 0 : i32
    %dma_start3A_99 = tpu.memref_slice %arg6[%dma_start3A_97, %dma_start3A_98] : memref<64x16384xf32, #tpu.memory_space<vmem>> -> memref<8x16384xf32, #tpu.memory_space<vmem>>
    %dma_start3A_100 = arith.constant 24 : i32
    %dma_start3A_101 = arith.constant 0 : i32
    %dma_start3A_102 = tpu.memref_slice %arg0[%dma_start3A_100, %dma_start3A_101] : memref<64x16384xf32, #tpu.memory_space<hbm>> -> memref<8x16384xf32, #tpu.memory_space<hbm>>
    tpu.enqueue_dma source(%dma_start3A_102 : memref<8x16384xf32, #tpu.memory_space<hbm>>) target(%dma_start3A_99 : memref<8x16384xf32, #tpu.memory_space<vmem>>) target_semaphore(%dma_start3A_96 : memref<!tpu.dma_semaphore, #tpu.memory_space<semaphore_mem>>)
    %dma_start3A_103 = arith.constant 1 : i32
    %dma_start3A_104 = arith.constant 3 : i32
    %dma_start3A_105 = tpu.memref_slice %arg9[%dma_start3A_103, %dma_start3A_104] : memref<3x8x!tpu.dma_semaphore, #tpu.memory_space<semaphore_mem>> -> memref<1x1x!tpu.dma_semaphore, #tpu.memory_space<semaphore_mem>>
    %dma_start3A_106 = tpu.memref_squeeze %dma_start3A_105 : memref<1x1x!tpu.dma_semaphore, #tpu.memory_space<semaphore_mem>> -> memref<!tpu.dma_semaphore, #tpu.memory_space<semaphore_mem>>
    %dma_start3A_107 = arith.constant 24 : i32
    %dma_start3A_108 = arith.constant 0 : i32
    %dma_start3A_109 = tpu.memref_slice %arg7[%dma_start3A_107, %dma_start3A_108] : memref<64x16384xf32, #tpu.memory_space<vmem>> -> memref<8x16384xf32, #tpu.memory_space<vmem>>
    %dma_start3A_110 = arith.constant 24 : i32
    %dma_start3A_111 = arith.constant 0 : i32
    %dma_start3A_112 = tpu.memref_slice %arg1[%dma_start3A_110, %dma_start3A_111] : memref<64x16384xf32, #tpu.memory_space<hbm>> -> memref<8x16384xf32, #tpu.memory_space<hbm>>
    tpu.enqueue_dma source(%dma_start3A_112 : memref<8x16384xf32, #tpu.memory_space<hbm>>) target(%dma_start3A_109 : memref<8x16384xf32, #tpu.memory_space<vmem>>) target_semaphore(%dma_start3A_106 : memref<!tpu.dma_semaphore, #tpu.memory_space<semaphore_mem>>)
    %dma_start3A_113 = arith.constant 2 : i32
    %dma_start3A_114 = arith.constant 3 : i32
    %dma_start3A_115 = tpu.memref_slice %arg9[%dma_start3A_113, %dma_start3A_114] : memref<3x8x!tpu.dma_semaphore, #tpu.memory_space<semaphore_mem>> -> memref<1x1x!tpu.dma_semaphore, #tpu.memory_space<semaphore_mem>>
    %dma_start3A_116 = tpu.memref_squeeze %dma_start3A_115 : memref<1x1x!tpu.dma_semaphore, #tpu.memory_space<semaphore_mem>> -> memref<!tpu.dma_semaphore, #tpu.memory_space<semaphore_mem>>
    %dma_start3A_117 = arith.constant 24 : i32
    %dma_start3A_118 = arith.constant 0 : i32
    %dma_start3A_119 = tpu.memref_slice %arg8[%dma_start3A_117, %dma_start3A_118] : memref<64x16384xf32, #tpu.memory_space<vmem>> -> memref<8x16384xf32, #tpu.memory_space<vmem>>
    %dma_start3A_120 = arith.constant 24 : i32
    %dma_start3A_121 = arith.constant 0 : i32
    %dma_start3A_122 = tpu.memref_slice %arg2[%dma_start3A_120, %dma_start3A_121] : memref<64x16384xf32, #tpu.memory_space<hbm>> -> memref<8x16384xf32, #tpu.memory_space<hbm>>
    tpu.enqueue_dma source(%dma_start3A_122 : memref<8x16384xf32, #tpu.memory_space<hbm>>) target(%dma_start3A_119 : memref<8x16384xf32, #tpu.memory_space<vmem>>) target_semaphore(%dma_start3A_116 : memref<!tpu.dma_semaphore, #tpu.memory_space<semaphore_mem>>)
    %dma_start3A_123 = arith.constant 0 : i32
    %dma_start3A_124 = arith.constant 4 : i32
    %dma_start3A_125 = tpu.memref_slice %arg9[%dma_start3A_123, %dma_start3A_124] : memref<3x8x!tpu.dma_semaphore, #tpu.memory_space<semaphore_mem>> -> memref<1x1x!tpu.dma_semaphore, #tpu.memory_space<semaphore_mem>>
    %dma_start3A_126 = tpu.memref_squeeze %dma_start3A_125 : memref<1x1x!tpu.dma_semaphore, #tpu.memory_space<semaphore_mem>> -> memref<!tpu.dma_semaphore, #tpu.memory_space<semaphore_mem>>
    %dma_start3A_127 = arith.constant 32 : i32
    %dma_start3A_128 = arith.constant 0 : i32
    %dma_start3A_129 = tpu.memref_slice %arg6[%dma_start3A_127, %dma_start3A_128] : memref<64x16384xf32, #tpu.memory_space<vmem>> -> memref<8x16384xf32, #tpu.memory_space<vmem>>
    %dma_start3A_130 = arith.constant 32 : i32
    %dma_start3A_131 = arith.constant 0 : i32
    %dma_start3A_132 = tpu.memref_slice %arg0[%dma_start3A_130, %dma_start3A_131] : memref<64x16384xf32, #tpu.memory_space<hbm>> -> memref<8x16384xf32, #tpu.memory_space<hbm>>
    tpu.enqueue_dma source(%dma_start3A_132 : memref<8x16384xf32, #tpu.memory_space<hbm>>) target(%dma_start3A_129 : memref<8x16384xf32, #tpu.memory_space<vmem>>) target_semaphore(%dma_start3A_126 : memref<!tpu.dma_semaphore, #tpu.memory_space<semaphore_mem>>)
    %dma_start3A_133 = arith.constant 1 : i32
    %dma_start3A_134 = arith.constant 4 : i32
    %dma_start3A_135 = tpu.memref_slice %arg9[%dma_start3A_133, %dma_start3A_134] : memref<3x8x!tpu.dma_semaphore, #tpu.memory_space<semaphore_mem>> -> memref<1x1x!tpu.dma_semaphore, #tpu.memory_space<semaphore_mem>>
    %dma_start3A_136 = tpu.memref_squeeze %dma_start3A_135 : memref<1x1x!tpu.dma_semaphore, #tpu.memory_space<semaphore_mem>> -> memref<!tpu.dma_semaphore, #tpu.memory_space<semaphore_mem>>
    %dma_start3A_137 = arith.constant 32 : i32
    %dma_start3A_138 = arith.constant 0 : i32
    %dma_start3A_139 = tpu.memref_slice %arg7[%dma_start3A_137, %dma_start3A_138] : memref<64x16384xf32, #tpu.memory_space<vmem>> -> memref<8x16384xf32, #tpu.memory_space<vmem>>
    %dma_start3A_140 = arith.constant 32 : i32
    %dma_start3A_141 = arith.constant 0 : i32
    %dma_start3A_142 = tpu.memref_slice %arg1[%dma_start3A_140, %dma_start3A_141] : memref<64x16384xf32, #tpu.memory_space<hbm>> -> memref<8x16384xf32, #tpu.memory_space<hbm>>
    tpu.enqueue_dma source(%dma_start3A_142 : memref<8x16384xf32, #tpu.memory_space<hbm>>) target(%dma_start3A_139 : memref<8x16384xf32, #tpu.memory_space<vmem>>) target_semaphore(%dma_start3A_136 : memref<!tpu.dma_semaphore, #tpu.memory_space<semaphore_mem>>)
    %dma_start3A_143 = arith.constant 2 : i32
    %dma_start3A_144 = arith.constant 4 : i32
    %dma_start3A_145 = tpu.memref_slice %arg9[%dma_start3A_143, %dma_start3A_144] : memref<3x8x!tpu.dma_semaphore, #tpu.memory_space<semaphore_mem>> -> memref<1x1x!tpu.dma_semaphore, #tpu.memory_space<semaphore_mem>>
    %dma_start3A_146 = tpu.memref_squeeze %dma_start3A_145 : memref<1x1x!tpu.dma_semaphore, #tpu.memory_space<semaphore_mem>> -> memref<!tpu.dma_semaphore, #tpu.memory_space<semaphore_mem>>
    %dma_start3A_147 = arith.constant 32 : i32
    %dma_start3A_148 = arith.constant 0 : i32
    %dma_start3A_149 = tpu.memref_slice %arg8[%dma_start3A_147, %dma_start3A_148] : memref<64x16384xf32, #tpu.memory_space<vmem>> -> memref<8x16384xf32, #tpu.memory_space<vmem>>
    %dma_start3A_150 = arith.constant 32 : i32
    %dma_start3A_151 = arith.constant 0 : i32
    %dma_start3A_152 = tpu.memref_slice %arg2[%dma_start3A_150, %dma_start3A_151] : memref<64x16384xf32, #tpu.memory_space<hbm>> -> memref<8x16384xf32, #tpu.memory_space<hbm>>
    tpu.enqueue_dma source(%dma_start3A_152 : memref<8x16384xf32, #tpu.memory_space<hbm>>) target(%dma_start3A_149 : memref<8x16384xf32, #tpu.memory_space<vmem>>) target_semaphore(%dma_start3A_146 : memref<!tpu.dma_semaphore, #tpu.memory_space<semaphore_mem>>)
    %dma_start3A_153 = arith.constant 0 : i32
    %dma_start3A_154 = arith.constant 5 : i32
    %dma_start3A_155 = tpu.memref_slice %arg9[%dma_start3A_153, %dma_start3A_154] : memref<3x8x!tpu.dma_semaphore, #tpu.memory_space<semaphore_mem>> -> memref<1x1x!tpu.dma_semaphore, #tpu.memory_space<semaphore_mem>>
    %dma_start3A_156 = tpu.memref_squeeze %dma_start3A_155 : memref<1x1x!tpu.dma_semaphore, #tpu.memory_space<semaphore_mem>> -> memref<!tpu.dma_semaphore, #tpu.memory_space<semaphore_mem>>
    %dma_start3A_157 = arith.constant 40 : i32
    %dma_start3A_158 = arith.constant 0 : i32
    %dma_start3A_159 = tpu.memref_slice %arg6[%dma_start3A_157, %dma_start3A_158] : memref<64x16384xf32, #tpu.memory_space<vmem>> -> memref<8x16384xf32, #tpu.memory_space<vmem>>
    %dma_start3A_160 = arith.constant 40 : i32
    %dma_start3A_161 = arith.constant 0 : i32
    %dma_start3A_162 = tpu.memref_slice %arg0[%dma_start3A_160, %dma_start3A_161] : memref<64x16384xf32, #tpu.memory_space<hbm>> -> memref<8x16384xf32, #tpu.memory_space<hbm>>
    tpu.enqueue_dma source(%dma_start3A_162 : memref<8x16384xf32, #tpu.memory_space<hbm>>) target(%dma_start3A_159 : memref<8x16384xf32, #tpu.memory_space<vmem>>) target_semaphore(%dma_start3A_156 : memref<!tpu.dma_semaphore, #tpu.memory_space<semaphore_mem>>)
    %dma_start3A_163 = arith.constant 1 : i32
    %dma_start3A_164 = arith.constant 5 : i32
    %dma_start3A_165 = tpu.memref_slice %arg9[%dma_start3A_163, %dma_start3A_164] : memref<3x8x!tpu.dma_semaphore, #tpu.memory_space<semaphore_mem>> -> memref<1x1x!tpu.dma_semaphore, #tpu.memory_space<semaphore_mem>>
    %dma_start3A_166 = tpu.memref_squeeze %dma_start3A_165 : memref<1x1x!tpu.dma_semaphore, #tpu.memory_space<semaphore_mem>> -> memref<!tpu.dma_semaphore, #tpu.memory_space<semaphore_mem>>
    %dma_start3A_167 = arith.constant 40 : i32
    %dma_start3A_168 = arith.constant 0 : i32
    %dma_start3A_169 = tpu.memref_slice %arg7[%dma_start3A_167, %dma_start3A_168] : memref<64x16384xf32, #tpu.memory_space<vmem>> -> memref<8x16384xf32, #tpu.memory_space<vmem>>
    %dma_start3A_170 = arith.constant 40 : i32
    %dma_start3A_171 = arith.constant 0 : i32
    %dma_start3A_172 = tpu.memref_slice %arg1[%dma_start3A_170, %dma_start3A_171] : memref<64x16384xf32, #tpu.memory_space<hbm>> -> memref<8x16384xf32, #tpu.memory_space<hbm>>
    tpu.enqueue_dma source(%dma_start3A_172 : memref<8x16384xf32, #tpu.memory_space<hbm>>) target(%dma_start3A_169 : memref<8x16384xf32, #tpu.memory_space<vmem>>) target_semaphore(%dma_start3A_166 : memref<!tpu.dma_semaphore, #tpu.memory_space<semaphore_mem>>)
    %dma_start3A_173 = arith.constant 2 : i32
    %dma_start3A_174 = arith.constant 5 : i32
    %dma_start3A_175 = tpu.memref_slice %arg9[%dma_start3A_173, %dma_start3A_174] : memref<3x8x!tpu.dma_semaphore, #tpu.memory_space<semaphore_mem>> -> memref<1x1x!tpu.dma_semaphore, #tpu.memory_space<semaphore_mem>>
    %dma_start3A_176 = tpu.memref_squeeze %dma_start3A_175 : memref<1x1x!tpu.dma_semaphore, #tpu.memory_space<semaphore_mem>> -> memref<!tpu.dma_semaphore, #tpu.memory_space<semaphore_mem>>
    %dma_start3A_177 = arith.constant 40 : i32
    %dma_start3A_178 = arith.constant 0 : i32
    %dma_start3A_179 = tpu.memref_slice %arg8[%dma_start3A_177, %dma_start3A_178] : memref<64x16384xf32, #tpu.memory_space<vmem>> -> memref<8x16384xf32, #tpu.memory_space<vmem>>
    %dma_start3A_180 = arith.constant 40 : i32
    %dma_start3A_181 = arith.constant 0 : i32
    %dma_start3A_182 = tpu.memref_slice %arg2[%dma_start3A_180, %dma_start3A_181] : memref<64x16384xf32, #tpu.memory_space<hbm>> -> memref<8x16384xf32, #tpu.memory_space<hbm>>
    tpu.enqueue_dma source(%dma_start3A_182 : memref<8x16384xf32, #tpu.memory_space<hbm>>) target(%dma_start3A_179 : memref<8x16384xf32, #tpu.memory_space<vmem>>) target_semaphore(%dma_start3A_176 : memref<!tpu.dma_semaphore, #tpu.memory_space<semaphore_mem>>)
    %dma_start3A_183 = arith.constant 0 : i32
    %dma_start3A_184 = arith.constant 6 : i32
    %dma_start3A_185 = tpu.memref_slice %arg9[%dma_start3A_183, %dma_start3A_184] : memref<3x8x!tpu.dma_semaphore, #tpu.memory_space<semaphore_mem>> -> memref<1x1x!tpu.dma_semaphore, #tpu.memory_space<semaphore_mem>>
    %dma_start3A_186 = tpu.memref_squeeze %dma_start3A_185 : memref<1x1x!tpu.dma_semaphore, #tpu.memory_space<semaphore_mem>> -> memref<!tpu.dma_semaphore, #tpu.memory_space<semaphore_mem>>
    %dma_start3A_187 = arith.constant 48 : i32
    %dma_start3A_188 = arith.constant 0 : i32
    %dma_start3A_189 = tpu.memref_slice %arg6[%dma_start3A_187, %dma_start3A_188] : memref<64x16384xf32, #tpu.memory_space<vmem>> -> memref<8x16384xf32, #tpu.memory_space<vmem>>
    %dma_start3A_190 = arith.constant 48 : i32
    %dma_start3A_191 = arith.constant 0 : i32
    %dma_start3A_192 = tpu.memref_slice %arg0[%dma_start3A_190, %dma_start3A_191] : memref<64x16384xf32, #tpu.memory_space<hbm>> -> memref<8x16384xf32, #tpu.memory_space<hbm>>
    tpu.enqueue_dma source(%dma_start3A_192 : memref<8x16384xf32, #tpu.memory_space<hbm>>) target(%dma_start3A_189 : memref<8x16384xf32, #tpu.memory_space<vmem>>) target_semaphore(%dma_start3A_186 : memref<!tpu.dma_semaphore, #tpu.memory_space<semaphore_mem>>)
    %dma_start3A_193 = arith.constant 1 : i32
    %dma_start3A_194 = arith.constant 6 : i32
    %dma_start3A_195 = tpu.memref_slice %arg9[%dma_start3A_193, %dma_start3A_194] : memref<3x8x!tpu.dma_semaphore, #tpu.memory_space<semaphore_mem>> -> memref<1x1x!tpu.dma_semaphore, #tpu.memory_space<semaphore_mem>>
    %dma_start3A_196 = tpu.memref_squeeze %dma_start3A_195 : memref<1x1x!tpu.dma_semaphore, #tpu.memory_space<semaphore_mem>> -> memref<!tpu.dma_semaphore, #tpu.memory_space<semaphore_mem>>
    %dma_start3A_197 = arith.constant 48 : i32
    %dma_start3A_198 = arith.constant 0 : i32
    %dma_start3A_199 = tpu.memref_slice %arg7[%dma_start3A_197, %dma_start3A_198] : memref<64x16384xf32, #tpu.memory_space<vmem>> -> memref<8x16384xf32, #tpu.memory_space<vmem>>
    %dma_start3A_200 = arith.constant 48 : i32
    %dma_start3A_201 = arith.constant 0 : i32
    %dma_start3A_202 = tpu.memref_slice %arg1[%dma_start3A_200, %dma_start3A_201] : memref<64x16384xf32, #tpu.memory_space<hbm>> -> memref<8x16384xf32, #tpu.memory_space<hbm>>
    tpu.enqueue_dma source(%dma_start3A_202 : memref<8x16384xf32, #tpu.memory_space<hbm>>) target(%dma_start3A_199 : memref<8x16384xf32, #tpu.memory_space<vmem>>) target_semaphore(%dma_start3A_196 : memref<!tpu.dma_semaphore, #tpu.memory_space<semaphore_mem>>)
    %dma_start3A_203 = arith.constant 2 : i32
    %dma_start3A_204 = arith.constant 6 : i32
    %dma_start3A_205 = tpu.memref_slice %arg9[%dma_start3A_203, %dma_start3A_204] : memref<3x8x!tpu.dma_semaphore, #tpu.memory_space<semaphore_mem>> -> memref<1x1x!tpu.dma_semaphore, #tpu.memory_space<semaphore_mem>>
    %dma_start3A_206 = tpu.memref_squeeze %dma_start3A_205 : memref<1x1x!tpu.dma_semaphore, #tpu.memory_space<semaphore_mem>> -> memref<!tpu.dma_semaphore, #tpu.memory_space<semaphore_mem>>
    %dma_start3A_207 = arith.constant 48 : i32
    %dma_start3A_208 = arith.constant 0 : i32
    %dma_start3A_209 = tpu.memref_slice %arg8[%dma_start3A_207, %dma_start3A_208] : memref<64x16384xf32, #tpu.memory_space<vmem>> -> memref<8x16384xf32, #tpu.memory_space<vmem>>
    %dma_start3A_210 = arith.constant 48 : i32
    %dma_start3A_211 = arith.constant 0 : i32
    %dma_start3A_212 = tpu.memref_slice %arg2[%dma_start3A_210, %dma_start3A_211] : memref<64x16384xf32, #tpu.memory_space<hbm>> -> memref<8x16384xf32, #tpu.memory_space<hbm>>
    tpu.enqueue_dma source(%dma_start3A_212 : memref<8x16384xf32, #tpu.memory_space<hbm>>) target(%dma_start3A_209 : memref<8x16384xf32, #tpu.memory_space<vmem>>) target_semaphore(%dma_start3A_206 : memref<!tpu.dma_semaphore, #tpu.memory_space<semaphore_mem>>)
    %dma_start3A_213 = arith.constant 0 : i32
    %dma_start3A_214 = arith.constant 7 : i32
    %dma_start3A_215 = tpu.memref_slice %arg9[%dma_start3A_213, %dma_start3A_214] : memref<3x8x!tpu.dma_semaphore, #tpu.memory_space<semaphore_mem>> -> memref<1x1x!tpu.dma_semaphore, #tpu.memory_space<semaphore_mem>>
    %dma_start3A_216 = tpu.memref_squeeze %dma_start3A_215 : memref<1x1x!tpu.dma_semaphore, #tpu.memory_space<semaphore_mem>> -> memref<!tpu.dma_semaphore, #tpu.memory_space<semaphore_mem>>
    %dma_start3A_217 = arith.constant 56 : i32
    %dma_start3A_218 = arith.constant 0 : i32
    %dma_start3A_219 = tpu.memref_slice %arg6[%dma_start3A_217, %dma_start3A_218] : memref<64x16384xf32, #tpu.memory_space<vmem>> -> memref<8x16384xf32, #tpu.memory_space<vmem>>
    %dma_start3A_220 = arith.constant 56 : i32
    %dma_start3A_221 = arith.constant 0 : i32
    %dma_start3A_222 = tpu.memref_slice %arg0[%dma_start3A_220, %dma_start3A_221] : memref<64x16384xf32, #tpu.memory_space<hbm>> -> memref<8x16384xf32, #tpu.memory_space<hbm>>
    tpu.enqueue_dma source(%dma_start3A_222 : memref<8x16384xf32, #tpu.memory_space<hbm>>) target(%dma_start3A_219 : memref<8x16384xf32, #tpu.memory_space<vmem>>) target_semaphore(%dma_start3A_216 : memref<!tpu.dma_semaphore, #tpu.memory_space<semaphore_mem>>)
    %dma_start3A_223 = arith.constant 1 : i32
    %dma_start3A_224 = arith.constant 7 : i32
    %dma_start3A_225 = tpu.memref_slice %arg9[%dma_start3A_223, %dma_start3A_224] : memref<3x8x!tpu.dma_semaphore, #tpu.memory_space<semaphore_mem>> -> memref<1x1x!tpu.dma_semaphore, #tpu.memory_space<semaphore_mem>>
    %dma_start3A_226 = tpu.memref_squeeze %dma_start3A_225 : memref<1x1x!tpu.dma_semaphore, #tpu.memory_space<semaphore_mem>> -> memref<!tpu.dma_semaphore, #tpu.memory_space<semaphore_mem>>
    %dma_start3A_227 = arith.constant 56 : i32
    %dma_start3A_228 = arith.constant 0 : i32
    %dma_start3A_229 = tpu.memref_slice %arg7[%dma_start3A_227, %dma_start3A_228] : memref<64x16384xf32, #tpu.memory_space<vmem>> -> memref<8x16384xf32, #tpu.memory_space<vmem>>
    %dma_start3A_230 = arith.constant 56 : i32
    %dma_start3A_231 = arith.constant 0 : i32
    %dma_start3A_232 = tpu.memref_slice %arg1[%dma_start3A_230, %dma_start3A_231] : memref<64x16384xf32, #tpu.memory_space<hbm>> -> memref<8x16384xf32, #tpu.memory_space<hbm>>
    tpu.enqueue_dma source(%dma_start3A_232 : memref<8x16384xf32, #tpu.memory_space<hbm>>) target(%dma_start3A_229 : memref<8x16384xf32, #tpu.memory_space<vmem>>) target_semaphore(%dma_start3A_226 : memref<!tpu.dma_semaphore, #tpu.memory_space<semaphore_mem>>)
    %dma_start3A_233 = arith.constant 2 : i32
    %dma_start3A_234 = arith.constant 7 : i32
    %dma_start3A_235 = tpu.memref_slice %arg9[%dma_start3A_233, %dma_start3A_234] : memref<3x8x!tpu.dma_semaphore, #tpu.memory_space<semaphore_mem>> -> memref<1x1x!tpu.dma_semaphore, #tpu.memory_space<semaphore_mem>>
    %dma_start3A_236 = tpu.memref_squeeze %dma_start3A_235 : memref<1x1x!tpu.dma_semaphore, #tpu.memory_space<semaphore_mem>> -> memref<!tpu.dma_semaphore, #tpu.memory_space<semaphore_mem>>
    %dma_start3A_237 = arith.constant 56 : i32
    %dma_start3A_238 = arith.constant 0 : i32
    %dma_start3A_239 = tpu.memref_slice %arg8[%dma_start3A_237, %dma_start3A_238] : memref<64x16384xf32, #tpu.memory_space<vmem>> -> memref<8x16384xf32, #tpu.memory_space<vmem>>
    %dma_start3A_240 = arith.constant 56 : i32
    %dma_start3A_241 = arith.constant 0 : i32
    %dma_start3A_242 = tpu.memref_slice %arg2[%dma_start3A_240, %dma_start3A_241] : memref<64x16384xf32, #tpu.memory_space<hbm>> -> memref<8x16384xf32, #tpu.memory_space<hbm>>
    tpu.enqueue_dma source(%dma_start3A_242 : memref<8x16384xf32, #tpu.memory_space<hbm>>) target(%dma_start3A_239 : memref<8x16384xf32, #tpu.memory_space<vmem>>) target_semaphore(%dma_start3A_236 : memref<!tpu.dma_semaphore, #tpu.memory_space<semaphore_mem>>)
    %dma_wait3A = arith.constant 0 : i32
    %dma_wait3A_243 = arith.constant 0 : i32
    %dma_wait3A_244 = tpu.memref_slice %arg9[%dma_wait3A, %dma_wait3A_243] : memref<3x8x!tpu.dma_semaphore, #tpu.memory_space<semaphore_mem>> -> memref<1x1x!tpu.dma_semaphore, #tpu.memory_space<semaphore_mem>>
    %dma_wait3A_245 = tpu.memref_squeeze %dma_wait3A_244 : memref<1x1x!tpu.dma_semaphore, #tpu.memory_space<semaphore_mem>> -> memref<!tpu.dma_semaphore, #tpu.memory_space<semaphore_mem>>
    %dma_wait3A_246 = arith.constant 0 : i32
    %dma_wait3A_247 = arith.constant 0 : i32
    %dma_wait3A_248 = tpu.memref_slice %arg6[%dma_wait3A_246, %dma_wait3A_247] : memref<64x16384xf32, #tpu.memory_space<vmem>> -> memref<8x16384xf32, #tpu.memory_space<vmem>>
    %dma_wait3A_249 = arith.constant 0 : i32
    %dma_wait3A_250 = arith.constant 0 : i32
    %dma_wait3A_251 = tpu.memref_slice %arg0[%dma_wait3A_249, %dma_wait3A_250] : memref<64x16384xf32, #tpu.memory_space<hbm>> -> memref<8x16384xf32, #tpu.memory_space<hbm>>
    tpu.wait_dma2 semaphore(%dma_wait3A_245 : memref<!tpu.dma_semaphore, #tpu.memory_space<semaphore_mem>>) src(%dma_wait3A_251 : memref<8x16384xf32, #tpu.memory_space<hbm>>) dst(%dma_wait3A_248 : memref<8x16384xf32, #tpu.memory_space<vmem>>)
    %dma_wait3A_252 = arith.constant 1 : i32
    %dma_wait3A_253 = arith.constant 0 : i32
    %dma_wait3A_254 = tpu.memref_slice %arg9[%dma_wait3A_252, %dma_wait3A_253] : memref<3x8x!tpu.dma_semaphore, #tpu.memory_space<semaphore_mem>> -> memref<1x1x!tpu.dma_semaphore, #tpu.memory_space<semaphore_mem>>
    %dma_wait3A_255 = tpu.memref_squeeze %dma_wait3A_254 : memref<1x1x!tpu.dma_semaphore, #tpu.memory_space<semaphore_mem>> -> memref<!tpu.dma_semaphore, #tpu.memory_space<semaphore_mem>>
    %dma_wait3A_256 = arith.constant 0 : i32
    %dma_wait3A_257 = arith.constant 0 : i32
    %dma_wait3A_258 = tpu.memref_slice %arg7[%dma_wait3A_256, %dma_wait3A_257] : memref<64x16384xf32, #tpu.memory_space<vmem>> -> memref<8x16384xf32, #tpu.memory_space<vmem>>
    %dma_wait3A_259 = arith.constant 0 : i32
    %dma_wait3A_260 = arith.constant 0 : i32
    %dma_wait3A_261 = tpu.memref_slice %arg1[%dma_wait3A_259, %dma_wait3A_260] : memref<64x16384xf32, #tpu.memory_space<hbm>> -> memref<8x16384xf32, #tpu.memory_space<hbm>>
    tpu.wait_dma2 semaphore(%dma_wait3A_255 : memref<!tpu.dma_semaphore, #tpu.memory_space<semaphore_mem>>) src(%dma_wait3A_261 : memref<8x16384xf32, #tpu.memory_space<hbm>>) dst(%dma_wait3A_258 : memref<8x16384xf32, #tpu.memory_space<vmem>>)
    %dma_wait3A_262 = arith.constant 2 : i32
    %dma_wait3A_263 = arith.constant 0 : i32
    %dma_wait3A_264 = tpu.memref_slice %arg9[%dma_wait3A_262, %dma_wait3A_263] : memref<3x8x!tpu.dma_semaphore, #tpu.memory_space<semaphore_mem>> -> memref<1x1x!tpu.dma_semaphore, #tpu.memory_space<semaphore_mem>>
    %dma_wait3A_265 = tpu.memref_squeeze %dma_wait3A_264 : memref<1x1x!tpu.dma_semaphore, #tpu.memory_space<semaphore_mem>> -> memref<!tpu.dma_semaphore, #tpu.memory_space<semaphore_mem>>
    %dma_wait3A_266 = arith.constant 0 : i32
    %dma_wait3A_267 = arith.constant 0 : i32
    %dma_wait3A_268 = tpu.memref_slice %arg8[%dma_wait3A_266, %dma_wait3A_267] : memref<64x16384xf32, #tpu.memory_space<vmem>> -> memref<8x16384xf32, #tpu.memory_space<vmem>>
    %dma_wait3A_269 = arith.constant 0 : i32
    %dma_wait3A_270 = arith.constant 0 : i32
    %dma_wait3A_271 = tpu.memref_slice %arg2[%dma_wait3A_269, %dma_wait3A_270] : memref<64x16384xf32, #tpu.memory_space<hbm>> -> memref<8x16384xf32, #tpu.memory_space<hbm>>
    tpu.wait_dma2 semaphore(%dma_wait3A_265 : memref<!tpu.dma_semaphore, #tpu.memory_space<semaphore_mem>>) src(%dma_wait3A_271 : memref<8x16384xf32, #tpu.memory_space<hbm>>) dst(%dma_wait3A_268 : memref<8x16384xf32, #tpu.memory_space<vmem>>)
    %get3A_272 = arith.constant 0 : index
    %get3A_273 = arith.constant 0 : index
    %get3A_274 = vector.load %arg8[%get3A_272, %get3A_273] : memref<64x16384xf32, #tpu.memory_space<vmem>>, vector<8x16384xf32>
    %get3A_275 = arith.constant 0 : index
    %get3A_276 = arith.constant 0 : index
    %get3A_277 = vector.load %arg6[%get3A_275, %get3A_276] : memref<64x16384xf32, #tpu.memory_space<vmem>>, vector<8x16384xf32>
    %sub3A = arith.subf %get3A_277, %get3A_274 : vector<8x16384xf32>
    %get3A_278 = arith.constant 0 : index
    %get3A_279 = arith.constant 0 : index
    %get3A_280 = vector.load %arg7[%get3A_278, %get3A_279] : memref<64x16384xf32, #tpu.memory_space<vmem>>, vector<8x16384xf32>
    %sub3A_281 = arith.subf %get3A_280, %get3A_274 : vector<8x16384xf32>
    %slice3A = vector.extract_strided_slice %mul3A {offsets = [0], sizes = [8], strides = [1]} : vector<64xf32> to vector<8xf32>
    %reshape3A = vector.shape_cast %slice3A : vector<8xf32> to vector<8x1xf32>
    %slice3A_282 = vector.extract_strided_slice %mul3A_3 {offsets = [0], sizes = [8], strides = [1]} : vector<64xf32> to vector<8xf32>
    %reshape3A_283 = vector.shape_cast %slice3A_282 : vector<8xf32> to vector<8x1xf32>
    %mul3A_284 = arith.mulf %sub3A, %sub3A : vector<8x16384xf32>
    %mul3A_285 = vector.broadcast %reshape3A : vector<8x1xf32> to vector<8x16384xf32>
    %mul3A_286 = arith.mulf %mul3A_284, %mul3A_285 : vector<8x16384xf32>
    %mul3A_287 = arith.mulf %sub3A_281, %sub3A_281 : vector<8x16384xf32>
    %mul3A_288 = vector.broadcast %reshape3A_283 : vector<8x1xf32> to vector<8x16384xf32>
    %mul3A_289 = arith.mulf %mul3A_287, %mul3A_288 : vector<8x16384xf32>
    %add3A = arith.addf %mul3A_286, %mul3A_289 : vector<8x16384xf32>
    %reduce_sum3A = arith.constant dense<0.000000e+00> : vector<16384xf32>
    %reduce_sum3A_290 = vector.multi_reduction <add>, %add3A, %reduce_sum3A [0] : vector<8x16384xf32> to vector<16384xf32>
    %swap3A = arith.constant 0 : index
    %swap3A_291 = vector.load %arg5[%swap3A] : memref<16384xf32, #tpu.memory_space<vmem>>, vector<16384xf32>
    tpu.vector_store %arg5[%swap3A], %reduce_sum3A_290 {strides = array<i32>} : memref<16384xf32, #tpu.memory_space<vmem>>, vector<16384xf32>,
    %dma_wait3A_292 = arith.constant 0 : i32
    %dma_wait3A_293 = arith.constant 1 : i32
    %dma_wait3A_294 = tpu.memref_slice %arg9[%dma_wait3A_292, %dma_wait3A_293] : memref<3x8x!tpu.dma_semaphore, #tpu.memory_space<semaphore_mem>> -> memref<1x1x!tpu.dma_semaphore, #tpu.memory_space<semaphore_mem>>
    %dma_wait3A_295 = tpu.memref_squeeze %dma_wait3A_294 : memref<1x1x!tpu.dma_semaphore, #tpu.memory_space<semaphore_mem>> -> memref<!tpu.dma_semaphore, #tpu.memory_space<semaphore_mem>>
    %dma_wait3A_296 = arith.constant 8 : i32
    %dma_wait3A_297 = arith.constant 0 : i32
    %dma_wait3A_298 = tpu.memref_slice %arg6[%dma_wait3A_296, %dma_wait3A_297] : memref<64x16384xf32, #tpu.memory_space<vmem>> -> memref<8x16384xf32, #tpu.memory_space<vmem>>
    %dma_wait3A_299 = arith.constant 8 : i32
    %dma_wait3A_300 = arith.constant 0 : i32
    %dma_wait3A_301 = tpu.memref_slice %arg0[%dma_wait3A_299, %dma_wait3A_300] : memref<64x16384xf32, #tpu.memory_space<hbm>> -> memref<8x16384xf32, #tpu.memory_space<hbm>>
    tpu.wait_dma2 semaphore(%dma_wait3A_295 : memref<!tpu.dma_semaphore, #tpu.memory_space<semaphore_mem>>) src(%dma_wait3A_301 : memref<8x16384xf32, #tpu.memory_space<hbm>>) dst(%dma_wait3A_298 : memref<8x16384xf32, #tpu.memory_space<vmem>>)
    %dma_wait3A_302 = arith.constant 1 : i32
    %dma_wait3A_303 = arith.constant 1 : i32
    %dma_wait3A_304 = tpu.memref_slice %arg9[%dma_wait3A_302, %dma_wait3A_303] : memref<3x8x!tpu.dma_semaphore, #tpu.memory_space<semaphore_mem>> -> memref<1x1x!tpu.dma_semaphore, #tpu.memory_space<semaphore_mem>>
    %dma_wait3A_305 = tpu.memref_squeeze %dma_wait3A_304 : memref<1x1x!tpu.dma_semaphore, #tpu.memory_space<semaphore_mem>> -> memref<!tpu.dma_semaphore, #tpu.memory_space<semaphore_mem>>
    %dma_wait3A_306 = arith.constant 8 : i32
    %dma_wait3A_307 = arith.constant 0 : i32
    %dma_wait3A_308 = tpu.memref_slice %arg7[%dma_wait3A_306, %dma_wait3A_307] : memref<64x16384xf32, #tpu.memory_space<vmem>> -> memref<8x16384xf32, #tpu.memory_space<vmem>>
    %dma_wait3A_309 = arith.constant 8 : i32
    %dma_wait3A_310 = arith.constant 0 : i32
    %dma_wait3A_311 = tpu.memref_slice %arg1[%dma_wait3A_309, %dma_wait3A_310] : memref<64x16384xf32, #tpu.memory_space<hbm>> -> memref<8x16384xf32, #tpu.memory_space<hbm>>
    tpu.wait_dma2 semaphore(%dma_wait3A_305 : memref<!tpu.dma_semaphore, #tpu.memory_space<semaphore_mem>>) src(%dma_wait3A_311 : memref<8x16384xf32, #tpu.memory_space<hbm>>) dst(%dma_wait3A_308 : memref<8x16384xf32, #tpu.memory_space<vmem>>)
    %dma_wait3A_312 = arith.constant 2 : i32
    %dma_wait3A_313 = arith.constant 1 : i32
    %dma_wait3A_314 = tpu.memref_slice %arg9[%dma_wait3A_312, %dma_wait3A_313] : memref<3x8x!tpu.dma_semaphore, #tpu.memory_space<semaphore_mem>> -> memref<1x1x!tpu.dma_semaphore, #tpu.memory_space<semaphore_mem>>
    %dma_wait3A_315 = tpu.memref_squeeze %dma_wait3A_314 : memref<1x1x!tpu.dma_semaphore, #tpu.memory_space<semaphore_mem>> -> memref<!tpu.dma_semaphore, #tpu.memory_space<semaphore_mem>>
    %dma_wait3A_316 = arith.constant 8 : i32
    %dma_wait3A_317 = arith.constant 0 : i32
    %dma_wait3A_318 = tpu.memref_slice %arg8[%dma_wait3A_316, %dma_wait3A_317] : memref<64x16384xf32, #tpu.memory_space<vmem>> -> memref<8x16384xf32, #tpu.memory_space<vmem>>
    %dma_wait3A_319 = arith.constant 8 : i32
    %dma_wait3A_320 = arith.constant 0 : i32
    %dma_wait3A_321 = tpu.memref_slice %arg2[%dma_wait3A_319, %dma_wait3A_320] : memref<64x16384xf32, #tpu.memory_space<hbm>> -> memref<8x16384xf32, #tpu.memory_space<hbm>>
    tpu.wait_dma2 semaphore(%dma_wait3A_315 : memref<!tpu.dma_semaphore, #tpu.memory_space<semaphore_mem>>) src(%dma_wait3A_321 : memref<8x16384xf32, #tpu.memory_space<hbm>>) dst(%dma_wait3A_318 : memref<8x16384xf32, #tpu.memory_space<vmem>>)
    %get3A_322 = arith.constant 8 : index
    %get3A_323 = arith.constant 0 : index
    %get3A_324 = vector.load %arg8[%get3A_322, %get3A_323] : memref<64x16384xf32, #tpu.memory_space<vmem>>, vector<8x16384xf32>
    %get3A_325 = arith.constant 8 : index
    %get3A_326 = arith.constant 0 : index
    %get3A_327 = vector.load %arg6[%get3A_325, %get3A_326] : memref<64x16384xf32, #tpu.memory_space<vmem>>, vector<8x16384xf32>
    %sub3A_328 = arith.subf %get3A_327, %get3A_324 : vector<8x16384xf32>
    %get3A_329 = arith.constant 8 : index
    %get3A_330 = arith.constant 0 : index
    %get3A_331 = vector.load %arg7[%get3A_329, %get3A_330] : memref<64x16384xf32, #tpu.memory_space<vmem>>, vector<8x16384xf32>
    %sub3A_332 = arith.subf %get3A_331, %get3A_324 : vector<8x16384xf32>
    %slice3A_333 = vector.extract_strided_slice %mul3A {offsets = [8], sizes = [8], strides = [1]} : vector<64xf32> to vector<8xf32>
    %reshape3A_334 = vector.shape_cast %slice3A_333 : vector<8xf32> to vector<8x1xf32>
    %slice3A_335 = vector.extract_strided_slice %mul3A_3 {offsets = [8], sizes = [8], strides = [1]} : vector<64xf32> to vector<8xf32>
    %reshape3A_336 = vector.shape_cast %slice3A_335 : vector<8xf32> to vector<8x1xf32>
    %mul3A_337 = arith.mulf %sub3A_328, %sub3A_328 : vector<8x16384xf32>
    %mul3A_338 = vector.broadcast %reshape3A_334 : vector<8x1xf32> to vector<8x16384xf32>
    %mul3A_339 = arith.mulf %mul3A_337, %mul3A_338 : vector<8x16384xf32>
    %mul3A_340 = arith.mulf %sub3A_332, %sub3A_332 : vector<8x16384xf32>
    %mul3A_341 = vector.broadcast %reshape3A_336 : vector<8x1xf32> to vector<8x16384xf32>
    %mul3A_342 = arith.mulf %mul3A_340, %mul3A_341 : vector<8x16384xf32>
    %add3A_343 = arith.addf %mul3A_339, %mul3A_342 : vector<8x16384xf32>
    %reduce_sum3A_344 = arith.constant dense<0.000000e+00> : vector<16384xf32>
    %reduce_sum3A_345 = vector.multi_reduction <add>, %add3A_343, %reduce_sum3A_344 [0] : vector<8x16384xf32> to vector<16384xf32>
    %get3A_346 = arith.constant 0 : index
    %get3A_347 = vector.load %arg5[%get3A_346] : memref<16384xf32, #tpu.memory_space<vmem>>, vector<16384xf32>
    %add3A_348 = arith.addf %get3A_347, %reduce_sum3A_345 : vector<16384xf32>
    %swap3A_349 = arith.constant 0 : index
    %swap3A_350 = vector.load %arg5[%swap3A_349] : memref<16384xf32, #tpu.memory_space<vmem>>, vector<16384xf32>
    tpu.vector_store %arg5[%swap3A_349], %add3A_348 {strides = array<i32>} : memref<16384xf32, #tpu.memory_space<vmem>>, vector<16384xf32>,
    %dma_wait3A_351 = arith.constant 0 : i32
    %dma_wait3A_352 = arith.constant 2 : i32
    %dma_wait3A_353 = tpu.memref_slice %arg9[%dma_wait3A_351, %dma_wait3A_352] : memref<3x8x!tpu.dma_semaphore, #tpu.memory_space<semaphore_mem>> -> memref<1x1x!tpu.dma_semaphore, #tpu.memory_space<semaphore_mem>>
    %dma_wait3A_354 = tpu.memref_squeeze %dma_wait3A_353 : memref<1x1x!tpu.dma_semaphore, #tpu.memory_space<semaphore_mem>> -> memref<!tpu.dma_semaphore, #tpu.memory_space<semaphore_mem>>
    %dma_wait3A_355 = arith.constant 16 : i32
    %dma_wait3A_356 = arith.constant 0 : i32
    %dma_wait3A_357 = tpu.memref_slice %arg6[%dma_wait3A_355, %dma_wait3A_356] : memref<64x16384xf32, #tpu.memory_space<vmem>> -> memref<8x16384xf32, #tpu.memory_space<vmem>>
    %dma_wait3A_358 = arith.constant 16 : i32
    %dma_wait3A_359 = arith.constant 0 : i32
    %dma_wait3A_360 = tpu.memref_slice %arg0[%dma_wait3A_358, %dma_wait3A_359] : memref<64x16384xf32, #tpu.memory_space<hbm>> -> memref<8x16384xf32, #tpu.memory_space<hbm>>
    tpu.wait_dma2 semaphore(%dma_wait3A_354 : memref<!tpu.dma_semaphore, #tpu.memory_space<semaphore_mem>>) src(%dma_wait3A_360 : memref<8x16384xf32, #tpu.memory_space<hbm>>) dst(%dma_wait3A_357 : memref<8x16384xf32, #tpu.memory_space<vmem>>)
    %dma_wait3A_361 = arith.constant 1 : i32
    %dma_wait3A_362 = arith.constant 2 : i32
    %dma_wait3A_363 = tpu.memref_slice %arg9[%dma_wait3A_361, %dma_wait3A_362] : memref<3x8x!tpu.dma_semaphore, #tpu.memory_space<semaphore_mem>> -> memref<1x1x!tpu.dma_semaphore, #tpu.memory_space<semaphore_mem>>
    %dma_wait3A_364 = tpu.memref_squeeze %dma_wait3A_363 : memref<1x1x!tpu.dma_semaphore, #tpu.memory_space<semaphore_mem>> -> memref<!tpu.dma_semaphore, #tpu.memory_space<semaphore_mem>>
    %dma_wait3A_365 = arith.constant 16 : i32
    %dma_wait3A_366 = arith.constant 0 : i32
    %dma_wait3A_367 = tpu.memref_slice %arg7[%dma_wait3A_365, %dma_wait3A_366] : memref<64x16384xf32, #tpu.memory_space<vmem>> -> memref<8x16384xf32, #tpu.memory_space<vmem>>
    %dma_wait3A_368 = arith.constant 16 : i32
    %dma_wait3A_369 = arith.constant 0 : i32
    %dma_wait3A_370 = tpu.memref_slice %arg1[%dma_wait3A_368, %dma_wait3A_369] : memref<64x16384xf32, #tpu.memory_space<hbm>> -> memref<8x16384xf32, #tpu.memory_space<hbm>>
    tpu.wait_dma2 semaphore(%dma_wait3A_364 : memref<!tpu.dma_semaphore, #tpu.memory_space<semaphore_mem>>) src(%dma_wait3A_370 : memref<8x16384xf32, #tpu.memory_space<hbm>>) dst(%dma_wait3A_367 : memref<8x16384xf32, #tpu.memory_space<vmem>>)
    %dma_wait3A_371 = arith.constant 2 : i32
    %dma_wait3A_372 = arith.constant 2 : i32
    %dma_wait3A_373 = tpu.memref_slice %arg9[%dma_wait3A_371, %dma_wait3A_372] : memref<3x8x!tpu.dma_semaphore, #tpu.memory_space<semaphore_mem>> -> memref<1x1x!tpu.dma_semaphore, #tpu.memory_space<semaphore_mem>>
    %dma_wait3A_374 = tpu.memref_squeeze %dma_wait3A_373 : memref<1x1x!tpu.dma_semaphore, #tpu.memory_space<semaphore_mem>> -> memref<!tpu.dma_semaphore, #tpu.memory_space<semaphore_mem>>
    %dma_wait3A_375 = arith.constant 16 : i32
    %dma_wait3A_376 = arith.constant 0 : i32
    %dma_wait3A_377 = tpu.memref_slice %arg8[%dma_wait3A_375, %dma_wait3A_376] : memref<64x16384xf32, #tpu.memory_space<vmem>> -> memref<8x16384xf32, #tpu.memory_space<vmem>>
    %dma_wait3A_378 = arith.constant 16 : i32
    %dma_wait3A_379 = arith.constant 0 : i32
    %dma_wait3A_380 = tpu.memref_slice %arg2[%dma_wait3A_378, %dma_wait3A_379] : memref<64x16384xf32, #tpu.memory_space<hbm>> -> memref<8x16384xf32, #tpu.memory_space<hbm>>
    tpu.wait_dma2 semaphore(%dma_wait3A_374 : memref<!tpu.dma_semaphore, #tpu.memory_space<semaphore_mem>>) src(%dma_wait3A_380 : memref<8x16384xf32, #tpu.memory_space<hbm>>) dst(%dma_wait3A_377 : memref<8x16384xf32, #tpu.memory_space<vmem>>)
    %get3A_381 = arith.constant 16 : index
    %get3A_382 = arith.constant 0 : index
    %get3A_383 = vector.load %arg8[%get3A_381, %get3A_382] : memref<64x16384xf32, #tpu.memory_space<vmem>>, vector<8x16384xf32>
    %get3A_384 = arith.constant 16 : index
    %get3A_385 = arith.constant 0 : index
    %get3A_386 = vector.load %arg6[%get3A_384, %get3A_385] : memref<64x16384xf32, #tpu.memory_space<vmem>>, vector<8x16384xf32>
    %sub3A_387 = arith.subf %get3A_386, %get3A_383 : vector<8x16384xf32>
    %get3A_388 = arith.constant 16 : index
    %get3A_389 = arith.constant 0 : index
    %get3A_390 = vector.load %arg7[%get3A_388, %get3A_389] : memref<64x16384xf32, #tpu.memory_space<vmem>>, vector<8x16384xf32>
    %sub3A_391 = arith.subf %get3A_390, %get3A_383 : vector<8x16384xf32>
    %slice3A_392 = vector.extract_strided_slice %mul3A {offsets = [16], sizes = [8], strides = [1]} : vector<64xf32> to vector<8xf32>
    %reshape3A_393 = vector.shape_cast %slice3A_392 : vector<8xf32> to vector<8x1xf32>
    %slice3A_394 = vector.extract_strided_slice %mul3A_3 {offsets = [16], sizes = [8], strides = [1]} : vector<64xf32> to vector<8xf32>
    %reshape3A_395 = vector.shape_cast %slice3A_394 : vector<8xf32> to vector<8x1xf32>
    %mul3A_396 = arith.mulf %sub3A_387, %sub3A_387 : vector<8x16384xf32>
    %mul3A_397 = vector.broadcast %reshape3A_393 : vector<8x1xf32> to vector<8x16384xf32>
    %mul3A_398 = arith.mulf %mul3A_396, %mul3A_397 : vector<8x16384xf32>
    %mul3A_399 = arith.mulf %sub3A_391, %sub3A_391 : vector<8x16384xf32>
    %mul3A_400 = vector.broadcast %reshape3A_395 : vector<8x1xf32> to vector<8x16384xf32>
    %mul3A_401 = arith.mulf %mul3A_399, %mul3A_400 : vector<8x16384xf32>
    %add3A_402 = arith.addf %mul3A_398, %mul3A_401 : vector<8x16384xf32>
    %reduce_sum3A_403 = arith.constant dense<0.000000e+00> : vector<16384xf32>
    %reduce_sum3A_404 = vector.multi_reduction <add>, %add3A_402, %reduce_sum3A_403 [0] : vector<8x16384xf32> to vector<16384xf32>
    %get3A_405 = arith.constant 0 : index
    %get3A_406 = vector.load %arg5[%get3A_405] : memref<16384xf32, #tpu.memory_space<vmem>>, vector<16384xf32>
    %add3A_407 = arith.addf %get3A_406, %reduce_sum3A_404 : vector<16384xf32>
    %swap3A_408 = arith.constant 0 : index
    %swap3A_409 = vector.load %arg5[%swap3A_408] : memref<16384xf32, #tpu.memory_space<vmem>>, vector<16384xf32>
    tpu.vector_store %arg5[%swap3A_408], %add3A_407 {strides = array<i32>} : memref<16384xf32, #tpu.memory_space<vmem>>, vector<16384xf32>,
    %dma_wait3A_410 = arith.constant 0 : i32
    %dma_wait3A_411 = arith.constant 3 : i32
    %dma_wait3A_412 = tpu.memref_slice %arg9[%dma_wait3A_410, %dma_wait3A_411] : memref<3x8x!tpu.dma_semaphore, #tpu.memory_space<semaphore_mem>> -> memref<1x1x!tpu.dma_semaphore, #tpu.memory_space<semaphore_mem>>
    %dma_wait3A_413 = tpu.memref_squeeze %dma_wait3A_412 : memref<1x1x!tpu.dma_semaphore, #tpu.memory_space<semaphore_mem>> -> memref<!tpu.dma_semaphore, #tpu.memory_space<semaphore_mem>>
    %dma_wait3A_414 = arith.constant 24 : i32
    %dma_wait3A_415 = arith.constant 0 : i32
    %dma_wait3A_416 = tpu.memref_slice %arg6[%dma_wait3A_414, %dma_wait3A_415] : memref<64x16384xf32, #tpu.memory_space<vmem>> -> memref<8x16384xf32, #tpu.memory_space<vmem>>
    %dma_wait3A_417 = arith.constant 24 : i32
    %dma_wait3A_418 = arith.constant 0 : i32
    %dma_wait3A_419 = tpu.memref_slice %arg0[%dma_wait3A_417, %dma_wait3A_418] : memref<64x16384xf32, #tpu.memory_space<hbm>> -> memref<8x16384xf32, #tpu.memory_space<hbm>>
    tpu.wait_dma2 semaphore(%dma_wait3A_413 : memref<!tpu.dma_semaphore, #tpu.memory_space<semaphore_mem>>) src(%dma_wait3A_419 : memref<8x16384xf32, #tpu.memory_space<hbm>>) dst(%dma_wait3A_416 : memref<8x16384xf32, #tpu.memory_space<vmem>>)
    %dma_wait3A_420 = arith.constant 1 : i32
    %dma_wait3A_421 = arith.constant 3 : i32
    %dma_wait3A_422 = tpu.memref_slice %arg9[%dma_wait3A_420, %dma_wait3A_421] : memref<3x8x!tpu.dma_semaphore, #tpu.memory_space<semaphore_mem>> -> memref<1x1x!tpu.dma_semaphore, #tpu.memory_space<semaphore_mem>>
    %dma_wait3A_423 = tpu.memref_squeeze %dma_wait3A_422 : memref<1x1x!tpu.dma_semaphore, #tpu.memory_space<semaphore_mem>> -> memref<!tpu.dma_semaphore, #tpu.memory_space<semaphore_mem>>
    %dma_wait3A_424 = arith.constant 24 : i32
    %dma_wait3A_425 = arith.constant 0 : i32
    %dma_wait3A_426 = tpu.memref_slice %arg7[%dma_wait3A_424, %dma_wait3A_425] : memref<64x16384xf32, #tpu.memory_space<vmem>> -> memref<8x16384xf32, #tpu.memory_space<vmem>>
    %dma_wait3A_427 = arith.constant 24 : i32
    %dma_wait3A_428 = arith.constant 0 : i32
    %dma_wait3A_429 = tpu.memref_slice %arg1[%dma_wait3A_427, %dma_wait3A_428] : memref<64x16384xf32, #tpu.memory_space<hbm>> -> memref<8x16384xf32, #tpu.memory_space<hbm>>
    tpu.wait_dma2 semaphore(%dma_wait3A_423 : memref<!tpu.dma_semaphore, #tpu.memory_space<semaphore_mem>>) src(%dma_wait3A_429 : memref<8x16384xf32, #tpu.memory_space<hbm>>) dst(%dma_wait3A_426 : memref<8x16384xf32, #tpu.memory_space<vmem>>)
    %dma_wait3A_430 = arith.constant 2 : i32
    %dma_wait3A_431 = arith.constant 3 : i32
    %dma_wait3A_432 = tpu.memref_slice %arg9[%dma_wait3A_430, %dma_wait3A_431] : memref<3x8x!tpu.dma_semaphore, #tpu.memory_space<semaphore_mem>> -> memref<1x1x!tpu.dma_semaphore, #tpu.memory_space<semaphore_mem>>
    %dma_wait3A_433 = tpu.memref_squeeze %dma_wait3A_432 : memref<1x1x!tpu.dma_semaphore, #tpu.memory_space<semaphore_mem>> -> memref<!tpu.dma_semaphore, #tpu.memory_space<semaphore_mem>>
    %dma_wait3A_434 = arith.constant 24 : i32
    %dma_wait3A_435 = arith.constant 0 : i32
    %dma_wait3A_436 = tpu.memref_slice %arg8[%dma_wait3A_434, %dma_wait3A_435] : memref<64x16384xf32, #tpu.memory_space<vmem>> -> memref<8x16384xf32, #tpu.memory_space<vmem>>
    %dma_wait3A_437 = arith.constant 24 : i32
    %dma_wait3A_438 = arith.constant 0 : i32
    %dma_wait3A_439 = tpu.memref_slice %arg2[%dma_wait3A_437, %dma_wait3A_438] : memref<64x16384xf32, #tpu.memory_space<hbm>> -> memref<8x16384xf32, #tpu.memory_space<hbm>>
    tpu.wait_dma2 semaphore(%dma_wait3A_433 : memref<!tpu.dma_semaphore, #tpu.memory_space<semaphore_mem>>) src(%dma_wait3A_439 : memref<8x16384xf32, #tpu.memory_space<hbm>>) dst(%dma_wait3A_436 : memref<8x16384xf32, #tpu.memory_space<vmem>>)
    %get3A_440 = arith.constant 24 : index
    %get3A_441 = arith.constant 0 : index
    %get3A_442 = vector.load %arg8[%get3A_440, %get3A_441] : memref<64x16384xf32, #tpu.memory_space<vmem>>, vector<8x16384xf32>
    %get3A_443 = arith.constant 24 : index
    %get3A_444 = arith.constant 0 : index
    %get3A_445 = vector.load %arg6[%get3A_443, %get3A_444] : memref<64x16384xf32, #tpu.memory_space<vmem>>, vector<8x16384xf32>
    %sub3A_446 = arith.subf %get3A_445, %get3A_442 : vector<8x16384xf32>
    %get3A_447 = arith.constant 24 : index
    %get3A_448 = arith.constant 0 : index
    %get3A_449 = vector.load %arg7[%get3A_447, %get3A_448] : memref<64x16384xf32, #tpu.memory_space<vmem>>, vector<8x16384xf32>
    %sub3A_450 = arith.subf %get3A_449, %get3A_442 : vector<8x16384xf32>
    %slice3A_451 = vector.extract_strided_slice %mul3A {offsets = [24], sizes = [8], strides = [1]} : vector<64xf32> to vector<8xf32>
    %reshape3A_452 = vector.shape_cast %slice3A_451 : vector<8xf32> to vector<8x1xf32>
    %slice3A_453 = vector.extract_strided_slice %mul3A_3 {offsets = [24], sizes = [8], strides = [1]} : vector<64xf32> to vector<8xf32>
    %reshape3A_454 = vector.shape_cast %slice3A_453 : vector<8xf32> to vector<8x1xf32>
    %mul3A_455 = arith.mulf %sub3A_446, %sub3A_446 : vector<8x16384xf32>
    %mul3A_456 = vector.broadcast %reshape3A_452 : vector<8x1xf32> to vector<8x16384xf32>
    %mul3A_457 = arith.mulf %mul3A_455, %mul3A_456 : vector<8x16384xf32>
    %mul3A_458 = arith.mulf %sub3A_450, %sub3A_450 : vector<8x16384xf32>
    %mul3A_459 = vector.broadcast %reshape3A_454 : vector<8x1xf32> to vector<8x16384xf32>
    %mul3A_460 = arith.mulf %mul3A_458, %mul3A_459 : vector<8x16384xf32>
    %add3A_461 = arith.addf %mul3A_457, %mul3A_460 : vector<8x16384xf32>
    %reduce_sum3A_462 = arith.constant dense<0.000000e+00> : vector<16384xf32>
    %reduce_sum3A_463 = vector.multi_reduction <add>, %add3A_461, %reduce_sum3A_462 [0] : vector<8x16384xf32> to vector<16384xf32>
    %get3A_464 = arith.constant 0 : index
    %get3A_465 = vector.load %arg5[%get3A_464] : memref<16384xf32, #tpu.memory_space<vmem>>, vector<16384xf32>
    %add3A_466 = arith.addf %get3A_465, %reduce_sum3A_463 : vector<16384xf32>
    %swap3A_467 = arith.constant 0 : index
    %swap3A_468 = vector.load %arg5[%swap3A_467] : memref<16384xf32, #tpu.memory_space<vmem>>, vector<16384xf32>
    tpu.vector_store %arg5[%swap3A_467], %add3A_466 {strides = array<i32>} : memref<16384xf32, #tpu.memory_space<vmem>>, vector<16384xf32>,
    %dma_wait3A_469 = arith.constant 0 : i32
    %dma_wait3A_470 = arith.constant 4 : i32
    %dma_wait3A_471 = tpu.memref_slice %arg9[%dma_wait3A_469, %dma_wait3A_470] : memref<3x8x!tpu.dma_semaphore, #tpu.memory_space<semaphore_mem>> -> memref<1x1x!tpu.dma_semaphore, #tpu.memory_space<semaphore_mem>>
    %dma_wait3A_472 = tpu.memref_squeeze %dma_wait3A_471 : memref<1x1x!tpu.dma_semaphore, #tpu.memory_space<semaphore_mem>> -> memref<!tpu.dma_semaphore, #tpu.memory_space<semaphore_mem>>
    %dma_wait3A_473 = arith.constant 32 : i32
    %dma_wait3A_474 = arith.constant 0 : i32
    %dma_wait3A_475 = tpu.memref_slice %arg6[%dma_wait3A_473, %dma_wait3A_474] : memref<64x16384xf32, #tpu.memory_space<vmem>> -> memref<8x16384xf32, #tpu.memory_space<vmem>>
    %dma_wait3A_476 = arith.constant 32 : i32
    %dma_wait3A_477 = arith.constant 0 : i32
    %dma_wait3A_478 = tpu.memref_slice %arg0[%dma_wait3A_476, %dma_wait3A_477] : memref<64x16384xf32, #tpu.memory_space<hbm>> -> memref<8x16384xf32, #tpu.memory_space<hbm>>
    tpu.wait_dma2 semaphore(%dma_wait3A_472 : memref<!tpu.dma_semaphore, #tpu.memory_space<semaphore_mem>>) src(%dma_wait3A_478 : memref<8x16384xf32, #tpu.memory_space<hbm>>) dst(%dma_wait3A_475 : memref<8x16384xf32, #tpu.memory_space<vmem>>)
    %dma_wait3A_479 = arith.constant 1 : i32
    %dma_wait3A_480 = arith.constant 4 : i32
    %dma_wait3A_481 = tpu.memref_slice %arg9[%dma_wait3A_479, %dma_wait3A_480] : memref<3x8x!tpu.dma_semaphore, #tpu.memory_space<semaphore_mem>> -> memref<1x1x!tpu.dma_semaphore, #tpu.memory_space<semaphore_mem>>
    %dma_wait3A_482 = tpu.memref_squeeze %dma_wait3A_481 : memref<1x1x!tpu.dma_semaphore, #tpu.memory_space<semaphore_mem>> -> memref<!tpu.dma_semaphore, #tpu.memory_space<semaphore_mem>>
    %dma_wait3A_483 = arith.constant 32 : i32
    %dma_wait3A_484 = arith.constant 0 : i32
    %dma_wait3A_485 = tpu.memref_slice %arg7[%dma_wait3A_483, %dma_wait3A_484] : memref<64x16384xf32, #tpu.memory_space<vmem>> -> memref<8x16384xf32, #tpu.memory_space<vmem>>
    %dma_wait3A_486 = arith.constant 32 : i32
    %dma_wait3A_487 = arith.constant 0 : i32
    %dma_wait3A_488 = tpu.memref_slice %arg1[%dma_wait3A_486, %dma_wait3A_487] : memref<64x16384xf32, #tpu.memory_space<hbm>> -> memref<8x16384xf32, #tpu.memory_space<hbm>>
    tpu.wait_dma2 semaphore(%dma_wait3A_482 : memref<!tpu.dma_semaphore, #tpu.memory_space<semaphore_mem>>) src(%dma_wait3A_488 : memref<8x16384xf32, #tpu.memory_space<hbm>>) dst(%dma_wait3A_485 : memref<8x16384xf32, #tpu.memory_space<vmem>>)
    %dma_wait3A_489 = arith.constant 2 : i32
    %dma_wait3A_490 = arith.constant 4 : i32
    %dma_wait3A_491 = tpu.memref_slice %arg9[%dma_wait3A_489, %dma_wait3A_490] : memref<3x8x!tpu.dma_semaphore, #tpu.memory_space<semaphore_mem>> -> memref<1x1x!tpu.dma_semaphore, #tpu.memory_space<semaphore_mem>>
    %dma_wait3A_492 = tpu.memref_squeeze %dma_wait3A_491 : memref<1x1x!tpu.dma_semaphore, #tpu.memory_space<semaphore_mem>> -> memref<!tpu.dma_semaphore, #tpu.memory_space<semaphore_mem>>
    %dma_wait3A_493 = arith.constant 32 : i32
    %dma_wait3A_494 = arith.constant 0 : i32
    %dma_wait3A_495 = tpu.memref_slice %arg8[%dma_wait3A_493, %dma_wait3A_494] : memref<64x16384xf32, #tpu.memory_space<vmem>> -> memref<8x16384xf32, #tpu.memory_space<vmem>>
    %dma_wait3A_496 = arith.constant 32 : i32
    %dma_wait3A_497 = arith.constant 0 : i32
    %dma_wait3A_498 = tpu.memref_slice %arg2[%dma_wait3A_496, %dma_wait3A_497] : memref<64x16384xf32, #tpu.memory_space<hbm>> -> memref<8x16384xf32, #tpu.memory_space<hbm>>
    tpu.wait_dma2 semaphore(%dma_wait3A_492 : memref<!tpu.dma_semaphore, #tpu.memory_space<semaphore_mem>>) src(%dma_wait3A_498 : memref<8x16384xf32, #tpu.memory_space<hbm>>) dst(%dma_wait3A_495 : memref<8x16384xf32, #tpu.memory_space<vmem>>)
    %get3A_499 = arith.constant 32 : index
    %get3A_500 = arith.constant 0 : index
    %get3A_501 = vector.load %arg8[%get3A_499, %get3A_500] : memref<64x16384xf32, #tpu.memory_space<vmem>>, vector<8x16384xf32>
    %get3A_502 = arith.constant 32 : index
    %get3A_503 = arith.constant 0 : index
    %get3A_504 = vector.load %arg6[%get3A_502, %get3A_503] : memref<64x16384xf32, #tpu.memory_space<vmem>>, vector<8x16384xf32>
    %sub3A_505 = arith.subf %get3A_504, %get3A_501 : vector<8x16384xf32>
    %get3A_506 = arith.constant 32 : index
    %get3A_507 = arith.constant 0 : index
    %get3A_508 = vector.load %arg7[%get3A_506, %get3A_507] : memref<64x16384xf32, #tpu.memory_space<vmem>>, vector<8x16384xf32>
    %sub3A_509 = arith.subf %get3A_508, %get3A_501 : vector<8x16384xf32>
    %slice3A_510 = vector.extract_strided_slice %mul3A {offsets = [32], sizes = [8], strides = [1]} : vector<64xf32> to vector<8xf32>
    %reshape3A_511 = vector.shape_cast %slice3A_510 : vector<8xf32> to vector<8x1xf32>
    %slice3A_512 = vector.extract_strided_slice %mul3A_3 {offsets = [32], sizes = [8], strides = [1]} : vector<64xf32> to vector<8xf32>
    %reshape3A_513 = vector.shape_cast %slice3A_512 : vector<8xf32> to vector<8x1xf32>
    %mul3A_514 = arith.mulf %sub3A_505, %sub3A_505 : vector<8x16384xf32>
    %mul3A_515 = vector.broadcast %reshape3A_511 : vector<8x1xf32> to vector<8x16384xf32>
    %mul3A_516 = arith.mulf %mul3A_514, %mul3A_515 : vector<8x16384xf32>
    %mul3A_517 = arith.mulf %sub3A_509, %sub3A_509 : vector<8x16384xf32>
    %mul3A_518 = vector.broadcast %reshape3A_513 : vector<8x1xf32> to vector<8x16384xf32>
    %mul3A_519 = arith.mulf %mul3A_517, %mul3A_518 : vector<8x16384xf32>
    %add3A_520 = arith.addf %mul3A_516, %mul3A_519 : vector<8x16384xf32>
    %reduce_sum3A_521 = arith.constant dense<0.000000e+00> : vector<16384xf32>
    %reduce_sum3A_522 = vector.multi_reduction <add>, %add3A_520, %reduce_sum3A_521 [0] : vector<8x16384xf32> to vector<16384xf32>
    %get3A_523 = arith.constant 0 : index
    %get3A_524 = vector.load %arg5[%get3A_523] : memref<16384xf32, #tpu.memory_space<vmem>>, vector<16384xf32>
    %add3A_525 = arith.addf %get3A_524, %reduce_sum3A_522 : vector<16384xf32>
    %swap3A_526 = arith.constant 0 : index
    %swap3A_527 = vector.load %arg5[%swap3A_526] : memref<16384xf32, #tpu.memory_space<vmem>>, vector<16384xf32>
    tpu.vector_store %arg5[%swap3A_526], %add3A_525 {strides = array<i32>} : memref<16384xf32, #tpu.memory_space<vmem>>, vector<16384xf32>,
    %dma_wait3A_528 = arith.constant 0 : i32
    %dma_wait3A_529 = arith.constant 5 : i32
    %dma_wait3A_530 = tpu.memref_slice %arg9[%dma_wait3A_528, %dma_wait3A_529] : memref<3x8x!tpu.dma_semaphore, #tpu.memory_space<semaphore_mem>> -> memref<1x1x!tpu.dma_semaphore, #tpu.memory_space<semaphore_mem>>
    %dma_wait3A_531 = tpu.memref_squeeze %dma_wait3A_530 : memref<1x1x!tpu.dma_semaphore, #tpu.memory_space<semaphore_mem>> -> memref<!tpu.dma_semaphore, #tpu.memory_space<semaphore_mem>>
    %dma_wait3A_532 = arith.constant 40 : i32
    %dma_wait3A_533 = arith.constant 0 : i32
    %dma_wait3A_534 = tpu.memref_slice %arg6[%dma_wait3A_532, %dma_wait3A_533] : memref<64x16384xf32, #tpu.memory_space<vmem>> -> memref<8x16384xf32, #tpu.memory_space<vmem>>
    %dma_wait3A_535 = arith.constant 40 : i32
    %dma_wait3A_536 = arith.constant 0 : i32
    %dma_wait3A_537 = tpu.memref_slice %arg0[%dma_wait3A_535, %dma_wait3A_536] : memref<64x16384xf32, #tpu.memory_space<hbm>> -> memref<8x16384xf32, #tpu.memory_space<hbm>>
    tpu.wait_dma2 semaphore(%dma_wait3A_531 : memref<!tpu.dma_semaphore, #tpu.memory_space<semaphore_mem>>) src(%dma_wait3A_537 : memref<8x16384xf32, #tpu.memory_space<hbm>>) dst(%dma_wait3A_534 : memref<8x16384xf32, #tpu.memory_space<vmem>>)
    %dma_wait3A_538 = arith.constant 1 : i32
    %dma_wait3A_539 = arith.constant 5 : i32
    %dma_wait3A_540 = tpu.memref_slice %arg9[%dma_wait3A_538, %dma_wait3A_539] : memref<3x8x!tpu.dma_semaphore, #tpu.memory_space<semaphore_mem>> -> memref<1x1x!tpu.dma_semaphore, #tpu.memory_space<semaphore_mem>>
    %dma_wait3A_541 = tpu.memref_squeeze %dma_wait3A_540 : memref<1x1x!tpu.dma_semaphore, #tpu.memory_space<semaphore_mem>> -> memref<!tpu.dma_semaphore, #tpu.memory_space<semaphore_mem>>
    %dma_wait3A_542 = arith.constant 40 : i32
    %dma_wait3A_543 = arith.constant 0 : i32
    %dma_wait3A_544 = tpu.memref_slice %arg7[%dma_wait3A_542, %dma_wait3A_543] : memref<64x16384xf32, #tpu.memory_space<vmem>> -> memref<8x16384xf32, #tpu.memory_space<vmem>>
    %dma_wait3A_545 = arith.constant 40 : i32
    %dma_wait3A_546 = arith.constant 0 : i32
    %dma_wait3A_547 = tpu.memref_slice %arg1[%dma_wait3A_545, %dma_wait3A_546] : memref<64x16384xf32, #tpu.memory_space<hbm>> -> memref<8x16384xf32, #tpu.memory_space<hbm>>
    tpu.wait_dma2 semaphore(%dma_wait3A_541 : memref<!tpu.dma_semaphore, #tpu.memory_space<semaphore_mem>>) src(%dma_wait3A_547 : memref<8x16384xf32, #tpu.memory_space<hbm>>) dst(%dma_wait3A_544 : memref<8x16384xf32, #tpu.memory_space<vmem>>)
    %dma_wait3A_548 = arith.constant 2 : i32
    %dma_wait3A_549 = arith.constant 5 : i32
    %dma_wait3A_550 = tpu.memref_slice %arg9[%dma_wait3A_548, %dma_wait3A_549] : memref<3x8x!tpu.dma_semaphore, #tpu.memory_space<semaphore_mem>> -> memref<1x1x!tpu.dma_semaphore, #tpu.memory_space<semaphore_mem>>
    %dma_wait3A_551 = tpu.memref_squeeze %dma_wait3A_550 : memref<1x1x!tpu.dma_semaphore, #tpu.memory_space<semaphore_mem>> -> memref<!tpu.dma_semaphore, #tpu.memory_space<semaphore_mem>>
    %dma_wait3A_552 = arith.constant 40 : i32
    %dma_wait3A_553 = arith.constant 0 : i32
    %dma_wait3A_554 = tpu.memref_slice %arg8[%dma_wait3A_552, %dma_wait3A_553] : memref<64x16384xf32, #tpu.memory_space<vmem>> -> memref<8x16384xf32, #tpu.memory_space<vmem>>
    %dma_wait3A_555 = arith.constant 40 : i32
    %dma_wait3A_556 = arith.constant 0 : i32
    %dma_wait3A_557 = tpu.memref_slice %arg2[%dma_wait3A_555, %dma_wait3A_556] : memref<64x16384xf32, #tpu.memory_space<hbm>> -> memref<8x16384xf32, #tpu.memory_space<hbm>>
    tpu.wait_dma2 semaphore(%dma_wait3A_551 : memref<!tpu.dma_semaphore, #tpu.memory_space<semaphore_mem>>) src(%dma_wait3A_557 : memref<8x16384xf32, #tpu.memory_space<hbm>>) dst(%dma_wait3A_554 : memref<8x16384xf32, #tpu.memory_space<vmem>>)
    %get3A_558 = arith.constant 40 : index
    %get3A_559 = arith.constant 0 : index
    %get3A_560 = vector.load %arg8[%get3A_558, %get3A_559] : memref<64x16384xf32, #tpu.memory_space<vmem>>, vector<8x16384xf32>
    %get3A_561 = arith.constant 40 : index
    %get3A_562 = arith.constant 0 : index
    %get3A_563 = vector.load %arg6[%get3A_561, %get3A_562] : memref<64x16384xf32, #tpu.memory_space<vmem>>, vector<8x16384xf32>
    %sub3A_564 = arith.subf %get3A_563, %get3A_560 : vector<8x16384xf32>
    %get3A_565 = arith.constant 40 : index
    %get3A_566 = arith.constant 0 : index
    %get3A_567 = vector.load %arg7[%get3A_565, %get3A_566] : memref<64x16384xf32, #tpu.memory_space<vmem>>, vector<8x16384xf32>
    %sub3A_568 = arith.subf %get3A_567, %get3A_560 : vector<8x16384xf32>
    %slice3A_569 = vector.extract_strided_slice %mul3A {offsets = [40], sizes = [8], strides = [1]} : vector<64xf32> to vector<8xf32>
    %reshape3A_570 = vector.shape_cast %slice3A_569 : vector<8xf32> to vector<8x1xf32>
    %slice3A_571 = vector.extract_strided_slice %mul3A_3 {offsets = [40], sizes = [8], strides = [1]} : vector<64xf32> to vector<8xf32>
    %reshape3A_572 = vector.shape_cast %slice3A_571 : vector<8xf32> to vector<8x1xf32>
    %mul3A_573 = arith.mulf %sub3A_564, %sub3A_564 : vector<8x16384xf32>
    %mul3A_574 = vector.broadcast %reshape3A_570 : vector<8x1xf32> to vector<8x16384xf32>
    %mul3A_575 = arith.mulf %mul3A_573, %mul3A_574 : vector<8x16384xf32>
    %mul3A_576 = arith.mulf %sub3A_568, %sub3A_568 : vector<8x16384xf32>
    %mul3A_577 = vector.broadcast %reshape3A_572 : vector<8x1xf32> to vector<8x16384xf32>
    %mul3A_578 = arith.mulf %mul3A_576, %mul3A_577 : vector<8x16384xf32>
    %add3A_579 = arith.addf %mul3A_575, %mul3A_578 : vector<8x16384xf32>
    %reduce_sum3A_580 = arith.constant dense<0.000000e+00> : vector<16384xf32>
    %reduce_sum3A_581 = vector.multi_reduction <add>, %add3A_579, %reduce_sum3A_580 [0] : vector<8x16384xf32> to vector<16384xf32>
    %get3A_582 = arith.constant 0 : index
    %get3A_583 = vector.load %arg5[%get3A_582] : memref<16384xf32, #tpu.memory_space<vmem>>, vector<16384xf32>
    %add3A_584 = arith.addf %get3A_583, %reduce_sum3A_581 : vector<16384xf32>
    %swap3A_585 = arith.constant 0 : index
    %swap3A_586 = vector.load %arg5[%swap3A_585] : memref<16384xf32, #tpu.memory_space<vmem>>, vector<16384xf32>
    tpu.vector_store %arg5[%swap3A_585], %add3A_584 {strides = array<i32>} : memref<16384xf32, #tpu.memory_space<vmem>>, vector<16384xf32>,
    %dma_wait3A_587 = arith.constant 0 : i32
    %dma_wait3A_588 = arith.constant 6 : i32
    %dma_wait3A_589 = tpu.memref_slice %arg9[%dma_wait3A_587, %dma_wait3A_588] : memref<3x8x!tpu.dma_semaphore, #tpu.memory_space<semaphore_mem>> -> memref<1x1x!tpu.dma_semaphore, #tpu.memory_space<semaphore_mem>>
    %dma_wait3A_590 = tpu.memref_squeeze %dma_wait3A_589 : memref<1x1x!tpu.dma_semaphore, #tpu.memory_space<semaphore_mem>> -> memref<!tpu.dma_semaphore, #tpu.memory_space<semaphore_mem>>
    %dma_wait3A_591 = arith.constant 48 : i32
    %dma_wait3A_592 = arith.constant 0 : i32
    %dma_wait3A_593 = tpu.memref_slice %arg6[%dma_wait3A_591, %dma_wait3A_592] : memref<64x16384xf32, #tpu.memory_space<vmem>> -> memref<8x16384xf32, #tpu.memory_space<vmem>>
    %dma_wait3A_594 = arith.constant 48 : i32
    %dma_wait3A_595 = arith.constant 0 : i32
    %dma_wait3A_596 = tpu.memref_slice %arg0[%dma_wait3A_594, %dma_wait3A_595] : memref<64x16384xf32, #tpu.memory_space<hbm>> -> memref<8x16384xf32, #tpu.memory_space<hbm>>
    tpu.wait_dma2 semaphore(%dma_wait3A_590 : memref<!tpu.dma_semaphore, #tpu.memory_space<semaphore_mem>>) src(%dma_wait3A_596 : memref<8x16384xf32, #tpu.memory_space<hbm>>) dst(%dma_wait3A_593 : memref<8x16384xf32, #tpu.memory_space<vmem>>)
    %dma_wait3A_597 = arith.constant 1 : i32
    %dma_wait3A_598 = arith.constant 6 : i32
    %dma_wait3A_599 = tpu.memref_slice %arg9[%dma_wait3A_597, %dma_wait3A_598] : memref<3x8x!tpu.dma_semaphore, #tpu.memory_space<semaphore_mem>> -> memref<1x1x!tpu.dma_semaphore, #tpu.memory_space<semaphore_mem>>
    %dma_wait3A_600 = tpu.memref_squeeze %dma_wait3A_599 : memref<1x1x!tpu.dma_semaphore, #tpu.memory_space<semaphore_mem>> -> memref<!tpu.dma_semaphore, #tpu.memory_space<semaphore_mem>>
    %dma_wait3A_601 = arith.constant 48 : i32
    %dma_wait3A_602 = arith.constant 0 : i32
    %dma_wait3A_603 = tpu.memref_slice %arg7[%dma_wait3A_601, %dma_wait3A_602] : memref<64x16384xf32, #tpu.memory_space<vmem>> -> memref<8x16384xf32, #tpu.memory_space<vmem>>
    %dma_wait3A_604 = arith.constant 48 : i32
    %dma_wait3A_605 = arith.constant 0 : i32
    %dma_wait3A_606 = tpu.memref_slice %arg1[%dma_wait3A_604, %dma_wait3A_605] : memref<64x16384xf32, #tpu.memory_space<hbm>> -> memref<8x16384xf32, #tpu.memory_space<hbm>>
    tpu.wait_dma2 semaphore(%dma_wait3A_600 : memref<!tpu.dma_semaphore, #tpu.memory_space<semaphore_mem>>) src(%dma_wait3A_606 : memref<8x16384xf32, #tpu.memory_space<hbm>>) dst(%dma_wait3A_603 : memref<8x16384xf32, #tpu.memory_space<vmem>>)
    %dma_wait3A_607 = arith.constant 2 : i32
    %dma_wait3A_608 = arith.constant 6 : i32
    %dma_wait3A_609 = tpu.memref_slice %arg9[%dma_wait3A_607, %dma_wait3A_608] : memref<3x8x!tpu.dma_semaphore, #tpu.memory_space<semaphore_mem>> -> memref<1x1x!tpu.dma_semaphore, #tpu.memory_space<semaphore_mem>>
    %dma_wait3A_610 = tpu.memref_squeeze %dma_wait3A_609 : memref<1x1x!tpu.dma_semaphore, #tpu.memory_space<semaphore_mem>> -> memref<!tpu.dma_semaphore, #tpu.memory_space<semaphore_mem>>
    %dma_wait3A_611 = arith.constant 48 : i32
    %dma_wait3A_612 = arith.constant 0 : i32
    %dma_wait3A_613 = tpu.memref_slice %arg8[%dma_wait3A_611, %dma_wait3A_612] : memref<64x16384xf32, #tpu.memory_space<vmem>> -> memref<8x16384xf32, #tpu.memory_space<vmem>>
    %dma_wait3A_614 = arith.constant 48 : i32
    %dma_wait3A_615 = arith.constant 0 : i32
    %dma_wait3A_616 = tpu.memref_slice %arg2[%dma_wait3A_614, %dma_wait3A_615] : memref<64x16384xf32, #tpu.memory_space<hbm>> -> memref<8x16384xf32, #tpu.memory_space<hbm>>
    tpu.wait_dma2 semaphore(%dma_wait3A_610 : memref<!tpu.dma_semaphore, #tpu.memory_space<semaphore_mem>>) src(%dma_wait3A_616 : memref<8x16384xf32, #tpu.memory_space<hbm>>) dst(%dma_wait3A_613 : memref<8x16384xf32, #tpu.memory_space<vmem>>)
    %get3A_617 = arith.constant 48 : index
    %get3A_618 = arith.constant 0 : index
    %get3A_619 = vector.load %arg8[%get3A_617, %get3A_618] : memref<64x16384xf32, #tpu.memory_space<vmem>>, vector<8x16384xf32>
    %get3A_620 = arith.constant 48 : index
    %get3A_621 = arith.constant 0 : index
    %get3A_622 = vector.load %arg6[%get3A_620, %get3A_621] : memref<64x16384xf32, #tpu.memory_space<vmem>>, vector<8x16384xf32>
    %sub3A_623 = arith.subf %get3A_622, %get3A_619 : vector<8x16384xf32>
    %get3A_624 = arith.constant 48 : index
    %get3A_625 = arith.constant 0 : index
    %get3A_626 = vector.load %arg7[%get3A_624, %get3A_625] : memref<64x16384xf32, #tpu.memory_space<vmem>>, vector<8x16384xf32>
    %sub3A_627 = arith.subf %get3A_626, %get3A_619 : vector<8x16384xf32>
    %slice3A_628 = vector.extract_strided_slice %mul3A {offsets = [48], sizes = [8], strides = [1]} : vector<64xf32> to vector<8xf32>
    %reshape3A_629 = vector.shape_cast %slice3A_628 : vector<8xf32> to vector<8x1xf32>
    %slice3A_630 = vector.extract_strided_slice %mul3A_3 {offsets = [48], sizes = [8], strides = [1]} : vector<64xf32> to vector<8xf32>
    %reshape3A_631 = vector.shape_cast %slice3A_630 : vector<8xf32> to vector<8x1xf32>
    %mul3A_632 = arith.mulf %sub3A_623, %sub3A_623 : vector<8x16384xf32>
    %mul3A_633 = vector.broadcast %reshape3A_629 : vector<8x1xf32> to vector<8x16384xf32>
    %mul3A_634 = arith.mulf %mul3A_632, %mul3A_633 : vector<8x16384xf32>
    %mul3A_635 = arith.mulf %sub3A_627, %sub3A_627 : vector<8x16384xf32>
    %mul3A_636 = vector.broadcast %reshape3A_631 : vector<8x1xf32> to vector<8x16384xf32>
    %mul3A_637 = arith.mulf %mul3A_635, %mul3A_636 : vector<8x16384xf32>
    %add3A_638 = arith.addf %mul3A_634, %mul3A_637 : vector<8x16384xf32>
    %reduce_sum3A_639 = arith.constant dense<0.000000e+00> : vector<16384xf32>
    %reduce_sum3A_640 = vector.multi_reduction <add>, %add3A_638, %reduce_sum3A_639 [0] : vector<8x16384xf32> to vector<16384xf32>
    %get3A_641 = arith.constant 0 : index
    %get3A_642 = vector.load %arg5[%get3A_641] : memref<16384xf32, #tpu.memory_space<vmem>>, vector<16384xf32>
    %add3A_643 = arith.addf %get3A_642, %reduce_sum3A_640 : vector<16384xf32>
    %swap3A_644 = arith.constant 0 : index
    %swap3A_645 = vector.load %arg5[%swap3A_644] : memref<16384xf32, #tpu.memory_space<vmem>>, vector<16384xf32>
    tpu.vector_store %arg5[%swap3A_644], %add3A_643 {strides = array<i32>} : memref<16384xf32, #tpu.memory_space<vmem>>, vector<16384xf32>,
    %dma_wait3A_646 = arith.constant 0 : i32
    %dma_wait3A_647 = arith.constant 7 : i32
    %dma_wait3A_648 = tpu.memref_slice %arg9[%dma_wait3A_646, %dma_wait3A_647] : memref<3x8x!tpu.dma_semaphore, #tpu.memory_space<semaphore_mem>> -> memref<1x1x!tpu.dma_semaphore, #tpu.memory_space<semaphore_mem>>
    %dma_wait3A_649 = tpu.memref_squeeze %dma_wait3A_648 : memref<1x1x!tpu.dma_semaphore, #tpu.memory_space<semaphore_mem>> -> memref<!tpu.dma_semaphore, #tpu.memory_space<semaphore_mem>>
    %dma_wait3A_650 = arith.constant 56 : i32
    %dma_wait3A_651 = arith.constant 0 : i32
    %dma_wait3A_652 = tpu.memref_slice %arg6[%dma_wait3A_650, %dma_wait3A_651] : memref<64x16384xf32, #tpu.memory_space<vmem>> -> memref<8x16384xf32, #tpu.memory_space<vmem>>
    %dma_wait3A_653 = arith.constant 56 : i32
    %dma_wait3A_654 = arith.constant 0 : i32
    %dma_wait3A_655 = tpu.memref_slice %arg0[%dma_wait3A_653, %dma_wait3A_654] : memref<64x16384xf32, #tpu.memory_space<hbm>> -> memref<8x16384xf32, #tpu.memory_space<hbm>>
    tpu.wait_dma2 semaphore(%dma_wait3A_649 : memref<!tpu.dma_semaphore, #tpu.memory_space<semaphore_mem>>) src(%dma_wait3A_655 : memref<8x16384xf32, #tpu.memory_space<hbm>>) dst(%dma_wait3A_652 : memref<8x16384xf32, #tpu.memory_space<vmem>>)
    %dma_wait3A_656 = arith.constant 1 : i32
    %dma_wait3A_657 = arith.constant 7 : i32
    %dma_wait3A_658 = tpu.memref_slice %arg9[%dma_wait3A_656, %dma_wait3A_657] : memref<3x8x!tpu.dma_semaphore, #tpu.memory_space<semaphore_mem>> -> memref<1x1x!tpu.dma_semaphore, #tpu.memory_space<semaphore_mem>>
    %dma_wait3A_659 = tpu.memref_squeeze %dma_wait3A_658 : memref<1x1x!tpu.dma_semaphore, #tpu.memory_space<semaphore_mem>> -> memref<!tpu.dma_semaphore, #tpu.memory_space<semaphore_mem>>
    %dma_wait3A_660 = arith.constant 56 : i32
    %dma_wait3A_661 = arith.constant 0 : i32
    %dma_wait3A_662 = tpu.memref_slice %arg7[%dma_wait3A_660, %dma_wait3A_661] : memref<64x16384xf32, #tpu.memory_space<vmem>> -> memref<8x16384xf32, #tpu.memory_space<vmem>>
    %dma_wait3A_663 = arith.constant 56 : i32
    %dma_wait3A_664 = arith.constant 0 : i32
    %dma_wait3A_665 = tpu.memref_slice %arg1[%dma_wait3A_663, %dma_wait3A_664] : memref<64x16384xf32, #tpu.memory_space<hbm>> -> memref<8x16384xf32, #tpu.memory_space<hbm>>
    tpu.wait_dma2 semaphore(%dma_wait3A_659 : memref<!tpu.dma_semaphore, #tpu.memory_space<semaphore_mem>>) src(%dma_wait3A_665 : memref<8x16384xf32, #tpu.memory_space<hbm>>) dst(%dma_wait3A_662 : memref<8x16384xf32, #tpu.memory_space<vmem>>)
    %dma_wait3A_666 = arith.constant 2 : i32
    %dma_wait3A_667 = arith.constant 7 : i32
    %dma_wait3A_668 = tpu.memref_slice %arg9[%dma_wait3A_666, %dma_wait3A_667] : memref<3x8x!tpu.dma_semaphore, #tpu.memory_space<semaphore_mem>> -> memref<1x1x!tpu.dma_semaphore, #tpu.memory_space<semaphore_mem>>
    %dma_wait3A_669 = tpu.memref_squeeze %dma_wait3A_668 : memref<1x1x!tpu.dma_semaphore, #tpu.memory_space<semaphore_mem>> -> memref<!tpu.dma_semaphore, #tpu.memory_space<semaphore_mem>>
    %dma_wait3A_670 = arith.constant 56 : i32
    %dma_wait3A_671 = arith.constant 0 : i32
    %dma_wait3A_672 = tpu.memref_slice %arg8[%dma_wait3A_670, %dma_wait3A_671] : memref<64x16384xf32, #tpu.memory_space<vmem>> -> memref<8x16384xf32, #tpu.memory_space<vmem>>
    %dma_wait3A_673 = arith.constant 56 : i32
    %dma_wait3A_674 = arith.constant 0 : i32
    %dma_wait3A_675 = tpu.memref_slice %arg2[%dma_wait3A_673, %dma_wait3A_674] : memref<64x16384xf32, #tpu.memory_space<hbm>> -> memref<8x16384xf32, #tpu.memory_space<hbm>>
    tpu.wait_dma2 semaphore(%dma_wait3A_669 : memref<!tpu.dma_semaphore, #tpu.memory_space<semaphore_mem>>) src(%dma_wait3A_675 : memref<8x16384xf32, #tpu.memory_space<hbm>>) dst(%dma_wait3A_672 : memref<8x16384xf32, #tpu.memory_space<vmem>>)
    %get3A_676 = arith.constant 56 : index
    %get3A_677 = arith.constant 0 : index
    %get3A_678 = vector.load %arg8[%get3A_676, %get3A_677] : memref<64x16384xf32, #tpu.memory_space<vmem>>, vector<8x16384xf32>
    %get3A_679 = arith.constant 56 : index
    %get3A_680 = arith.constant 0 : index
    %get3A_681 = vector.load %arg6[%get3A_679, %get3A_680] : memref<64x16384xf32, #tpu.memory_space<vmem>>, vector<8x16384xf32>
    %sub3A_682 = arith.subf %get3A_681, %get3A_678 : vector<8x16384xf32>
    %get3A_683 = arith.constant 56 : index
    %get3A_684 = arith.constant 0 : index
    %get3A_685 = vector.load %arg7[%get3A_683, %get3A_684] : memref<64x16384xf32, #tpu.memory_space<vmem>>, vector<8x16384xf32>
    %sub3A_686 = arith.subf %get3A_685, %get3A_678 : vector<8x16384xf32>
    %slice3A_687 = vector.extract_strided_slice %mul3A {offsets = [56], sizes = [8], strides = [1]} : vector<64xf32> to vector<8xf32>
    %reshape3A_688 = vector.shape_cast %slice3A_687 : vector<8xf32> to vector<8x1xf32>
    %slice3A_689 = vector.extract_strided_slice %mul3A_3 {offsets = [56], sizes = [8], strides = [1]} : vector<64xf32> to vector<8xf32>
    %reshape3A_690 = vector.shape_cast %slice3A_689 : vector<8xf32> to vector<8x1xf32>
    %mul3A_691 = arith.mulf %sub3A_682, %sub3A_682 : vector<8x16384xf32>
    %mul3A_692 = vector.broadcast %reshape3A_688 : vector<8x1xf32> to vector<8x16384xf32>
    %mul3A_693 = arith.mulf %mul3A_691, %mul3A_692 : vector<8x16384xf32>
    %mul3A_694 = arith.mulf %sub3A_686, %sub3A_686 : vector<8x16384xf32>
    %mul3A_695 = vector.broadcast %reshape3A_690 : vector<8x1xf32> to vector<8x16384xf32>
    %mul3A_696 = arith.mulf %mul3A_694, %mul3A_695 : vector<8x16384xf32>
    %add3A_697 = arith.addf %mul3A_693, %mul3A_696 : vector<8x16384xf32>
    %reduce_sum3A_698 = arith.constant dense<0.000000e+00> : vector<16384xf32>
    %reduce_sum3A_699 = vector.multi_reduction <add>, %add3A_697, %reduce_sum3A_698 [0] : vector<8x16384xf32> to vector<16384xf32>
    %get3A_700 = arith.constant 0 : index
    %get3A_701 = vector.load %arg5[%get3A_700] : memref<16384xf32, #tpu.memory_space<vmem>>, vector<16384xf32>
    %add3A_702 = arith.addf %get3A_701, %reduce_sum3A_699 : vector<16384xf32>
    %swap3A_703 = arith.constant 0 : index
    %swap3A_704 = vector.load %arg5[%swap3A_703] : memref<16384xf32, #tpu.memory_space<vmem>>, vector<16384xf32>
    tpu.vector_store %arg5[%swap3A_703], %add3A_702 {strides = array<i32>} : memref<16384xf32, #tpu.memory_space<vmem>>, vector<16384xf32>,
    return
  }
}

</mosaic_0001>

<sc_bundles>
// kernel: kernel.5.cloned.1.call-start
scs
__scs_entry_jumppad:
0x0: {  	(pc) =	sbr.rel $0x88, $3  }
0x1: {  	(tag) =	ssettag $0x0;
	lr =	simm.s32 $0x1  }
0x2: {  	[smem:$0x3F9A] =	sst lr;
	_ =	strace $0xD0000000  }
0x3: {  	_ = 	snop  }
0x4: {  	_ = 	snop  }
0x5: {  	_ = 	snop  }
0x6: {  	_ = 	snop  }
0x7: {  	_ = 	snop  }
__scs_overlays_trampoline_lowered:
0x8: {  	[smem:$0x3FA9] =	sst s0  }
0x9: {  	[smem:$0x3FAA] =	sst s1  }
0xa: {  	[smem:$0x3FAB] =	sst s2  }
0xb: {  	[smem:$0x3FAC] =	sst s3  }
0xc: {  	[smem:$0x3FAD] =	sst s4  }
0xd: {  	[smem:$0x3FAE] =	sst s5  }
0xe: {  	[smem:$0x3FAF] =	sst s6  }
0xf: {  	[smem:$0x3FB0] =	sst s7  }
0x10: {  	[smem:$0x3FB1] =	sst s8  }
0x11: {  	[smem:$0x3FB2] =	sst s9;
	s0 =	simm.s32 @!p0 $0x0  }
0x12: {  	s1 =	sld [smem:$0x3F98];
	s0 =	simm.s32 @p0 $0x1  }
0x13: {  	[smem:$0x3FB3] =	sst s0;
	s0 =	simm.s32 @!p1 $0x0  }
0x14: {  	s2 =	sld [smem:$0x3F97];
	s0 =	simm.s32 @p1 $0x1  }
0x15: {  	[smem:$0x3FB4] =	sst s0;
	s0 =	simm.s32 @!p2 $0x0  }
0x16: {  	s3 =	sld [smem:$0x3FDB];
	s0 =	simm.s32 @p2 $0x1  }
0x17: {  	s4 =	simm.s32 $0x1BF5;
	[smem:$0x3FB6] =	sst s0  }
0x18: {  	s0 =	sld [smem:$0x3F99];
	_ =	swait.ge [sflag:s4], $0x0  }
0x19: {  	s7 =	sld [smem:$0x3F9A]  }
0x1a: {  	s8 =	sadd.s32 $0xFFFFE003, lr  }
0x1b: {  	s9 =	sadd.s32 $0xFFFFFEF7, lr;
	s5 =	simm.s32 $0xFFFFFFFF;
	p2 =	slt.u32 s8, $0xFFFFF086  }
0x1c: {  	p1 =	slt.u32 s9, $0xF7A;
	s5 =	simm.s32 @!p2 $0x0  }
0x1d: {  	s5 =	simm.s32 @p1 $0x1;
	p0 =	seq.s32 s7, s2  }
0x1e: {  	s7 =	smul.u32 @!p0 $0xF7A, s2;
	p2 =	seq.s32 @!p0 s5, $0x0  }
0x1f: {  	s9 =	smul.u32 $0xF7A, s1;
	s8 =	simm.s32 @!p0 $0x1BF5;
	p2 =	por !p2, p0  }
0x20: {  	[sflag:s8] =	ssyncset.s32 @!p0 $0xFFFFF086;
	s6 =	sadd.s32 @!p0 s3, s7;
	s7 =	simm.s32 @!p0 $0x108  }
0x21: {  	s3 =	sadd.s32 s3, s9;
	s6 =	sadd.s32 @!p0 $0x88, s6;
	s7 =	simm.s32 @p2 $0x1082  }
0x22: {  	[simem:s7], [sflag:s8] =	dma.local @!p0 [hbm:s6], $0xF7A  }
0x23: {  	s9 =	sor.u32 $0xD0000000, s2;
	s6 =	simm.s32 $0x108;
	_ =	swait.ge @!p0 [sflag:s8], $0x0  }
0x24: {  	s3 =	sadd.s32 $0x88, s3;
	s6 =	simm.s32 @!p1 $0x1082;
	[sflag:s4] =	ssyncset.s32 $0xFFFFF086  }
0x25: {  	[simem:s6], [sflag:s4] =	dma.local [hbm:s3], $0xF7A  }
0x26: {  	[smem:$0x3F9A] =	sst s1;
	(tag) =	ssettag s2;
	_ =	strace s9  }
0x27: {  	s1 =	sld [smem:$0x3FAA]  }
0x28: {  	s2 =	sld [smem:$0x3FAB]  }
0x29: {  	s4 =	sld [smem:$0x3FAD]  }
0x2a: {  	p0 =	seq.s32 s5, $0x0;
	s5 =	sld [smem:$0x3FAE]  }
0x2b: {  	s6 =	sld [smem:$0x3FAF]  }
0x2c: {  	s7 =	sld [smem:$0x3FB0]  }
0x2d: {  	s3 =	simm.s32 $0x108;
	s8 =	sld [smem:$0x3FB1]  }
0x2e: {  	s3 =	simm.s32 @!p0 $0x1082;
	s9 =	sld [smem:$0x3FB2]  }
0x2f: {  	lr =	sadd.s32 s0, s3;
	s0 =	sld [smem:$0x3FA9]  }
0x30: {  	s3 =	sld [smem:$0x3FAC]  }
0x31: {  	[smem:$0x3FB5] =	sst s10  }
0x32: {  	s10 =	sld [smem:$0x3FB3];
	_ =	sdelay $0x3  }
0x33: {  	p0 =	seq.s32 s10, $0x1;
	s10 =	sld [smem:$0x3FB5];
	_ =	sdelay $0x3  }
0x34: {  	[smem:$0x3FB5] =	sst s10  }
0x35: {  	s10 =	sld [smem:$0x3FB4];
	_ =	sdelay $0x3  }
0x36: {  	p1 =	seq.s32 s10, $0x1;
	s10 =	sld [smem:$0x3FB5];
	_ =	sdelay $0x3  }
0x37: {  	[smem:$0x3FB5] =	sst s10  }
0x38: {  	s10 =	sld [smem:$0x3FB6]  }
0x39: {  	_ = 	snop;
	(pc) =	sbr.ind lr, $3  }
0x3a: {  	_ = 	snop  }
0x3b: {  	_ = 	snop  }
0x3c: {  	p2 =	seq.s32 s10, $0x1;
	s10 =	sld [smem:$0x3FB5]  }
0x3d: {  	_ =	shalt  }
0x3e: {  	_ =	shalt  }
0x3f: {  	_ =	shalt  }
0x40: {  	_ =	shalt  }
0x41: {  	_ =	shalt  }
0x42: {  	_ =	shalt  }
0x43: {  	_ =	shalt  }
0x44: {  	_ =	shalt  }
0x45: {  	_ =	shalt  }
0x46: {  	_ =	shalt  }
0x47: {  	_ =	shalt  }
0x48: {  	_ =	shalt  }
0x49: {  	_ =	shalt  }
0x4a: {  	_ =	shalt  }
0x4b: {  	_ =	shalt  }
0x4c: {  	_ =	shalt  }
0x4d: {  	_ =	shalt  }
0x4e: {  	_ =	shalt  }
0x4f: {  	_ =	shalt  }
0x50: {  	_ =	shalt  }
0x51: {  	_ =	shalt  }
0x52: {  	_ =	shalt  }
0x53: {  	_ =	shalt  }
0x54: {  	_ =	shalt  }
0x55: {  	_ =	shalt  }
0x56: {  	_ =	shalt  }
0x57: {  	_ =	shalt  }
0x58: {  	_ =	shalt  }
0x59: {  	_ =	shalt  }
0x5a: {  	_ =	shalt  }
0x5b: {  	_ =	shalt  }
0x5c: {  	_ =	shalt  }
0x5d: {  	_ =	shalt  }
0x5e: {  	_ =	shalt  }
0x5f: {  	_ =	shalt  }
0x60: {  	_ =	shalt  }
0x61: {  	_ =	shalt  }
0x62: {  	_ =	shalt  }
0x63: {  	_ =	shalt  }
0x64: {  	_ =	shalt  }
0x65: {  	_ =	shalt  }
0x66: {  	_ =	shalt  }
0x67: {  	_ =	shalt  }
0x68: {  	_ =	shalt  }
0x69: {  	_ =	shalt  }
0x6a: {  	_ =	shalt  }
0x6b: {  	_ =	shalt  }
0x6c: {  	_ =	shalt  }
0x6d: {  	_ =	shalt  }
0x6e: {  	_ =	shalt  }
0x6f: {  	_ =	shalt  }
0x70: {  	_ =	shalt  }
0x71: {  	_ =	shalt  }
0x72: {  	_ =	shalt  }
0x73: {  	_ =	shalt  }
0x74: {  	_ =	shalt  }
0x75: {  	_ =	shalt  }
0x76: {  	_ =	shalt  }
0x77: {  	_ =	shalt  }
0x78: {  	_ =	shalt  }
0x79: {  	_ =	shalt  }
0x7a: {  	_ =	shalt  }
0x7b: {  	_ =	shalt  }
0x7c: {  	_ =	shalt  }
0x7d: {  	_ =	shalt  }
0x7e: {  	_ =	shalt  }
0x7f: {  	_ =	shalt  }
0x80: {  	_ =	shalt  }
0x81: {  	_ =	shalt  }
0x82: {  	_ =	shalt  }
0x83: {  	_ =	shalt  }
0x84: {  	_ =	shalt  }
0x85: {  	_ =	shalt  }
0x86: {  	_ =	shalt  }
0x87: {  	_ =	shalt  }
.Lfunc_end0:
.L_simem_size_0:
called_computation_lowered:
.L_overlay_start_0:
0x88: {  	s0 =	sld [smem:$0x3FD9]  }
0x89: {  	s1 =	sld [smem:$0x3FFE];
	_ =	sdelay $0x3  }
0x8a: {  	s0 =	sadd.s32 s1, s0  }
0x8b: {  	[smem:$0x3FC1] =	sst s0  }
0x8c: {  	_ = 	snop  }
0x8d: {  	s0 =	sld [smem:$0x3FC6]  }
0x8e: {  	s17 =	sld [smem:$0x3FC3]  }
0x8f: {  	s2 =	sld [smem:$0x3FD0];
	(tm) =	ssettm $0x1  }
0x90: {  	s3 =	sld [smem:$0x3FFB];
	_ =	sdelay $0x3  }
0x91: {  	_ =	strace s3  }
0x92: {  	s3 =	sld [smem:$0x3FFC];
	_ =	sdelay $0x3  }
0x93: {  	_ =	strace s3  }
0x94: {  	s3 =	sld [smem:$0x3FFD];
	_ =	sdelay $0x3  }
0x95: {  	_ =	strace s3  }
0x96: {  	_ =	strace $0x8FFFFFFF  }
0x97: {  	s18 =	sld [smem:$0x3FDB];
	_ =	sdelay $0x1  }
0x98: {  	s4 =	simm.s32 $_scs_section_size  }
0x99: {  	s5 =	simm.s32 $_size__tile_overlayer_lowered;
	s6 =	simm.s32 $_tile_overlayer_lowered  }
0x9a: {  	s21 =	simm.s32 $0x1BFF;
	s20 =	sshll.u32 s6, $0x1;
	s3 =	sadd.s32 s4, s18  }
0x9b: {  	s7 =	simm.s32 $0x0;
	s19 =	sshll.u32 s5, $0x1;
	s5 =	sadd.s32 s20, s3  }
0x9c: {  	[timem:s7], [sflag:s21] =	dma.local [hbm:s5], s19  }
0x9d: {  	_ =	swait.ge [sflag:s21], s19  }
0x9e: {  	s4 =	ssub.s32 $0x0, s19;
	[sflag:s21] =	ssyncset.done $0x0  }
0x9f: {  	[sflag:s21] =	ssyncadd.s32 s4;
	_ =	sdelay $0x1  }
0xa0: {  	s22 =	simm.s32 $0x1B8B  }
0xa1: {  	_ =	swait.ge [sflag:s22], $0x1  }
0xa2: {  	[sflag:s22] =	ssyncset.done $0x0  }
0xa3: {  	s23 =	simm.s32 $0x1B8E;
	[sflag:s22] =	ssyncadd.s32 $0xFFFFFFFF  }
0xa4: {  	s24 =	simm.s32 $execute0_lowered;
	[smem:$0x3FD2] =	sst s23  }
0xa5: {  	s4 =	sshll.u32 s24, $0x1;
	_ =	strace $0x80000046;
	[dreg:$0x1] =	wrdreg $0xFFFFFFFF  }
0xa6: {  	s25 =	simm.s32 $_size_execute0_lowered;
	s3 =	sadd.s32 s3, s4;
	[dreg:$0x0] =	wrdreg $0x0  }
0xa7: {  	s4 =	sshll.u32 s25, $0x1;
	[dreg:$0x2] =	wrdreg s3  }
0xa8: {  	[dreg:$0x3] =	wrdreg s4  }
0xa9: {  	[dreg:$0x4] =	wrdreg $0xC0  }
0xaa: {  	_ =	task [dreg:s7], $0x5FFFF  }
0xab: {  	[dreg:$0x1] =	wrdreg $0xFFFFFFFF  }
0xac: {  	[dreg:$0x0] =	wrdreg $0x60  }
0xad: {  	[dreg:$0x2] =	wrdreg s17  }
0xae: {  	[dreg:$0x3] =	wrdreg s0  }
0xaf: {  	[dreg:$0x4] =	wrdreg s2  }
0xb0: {  	[dreg:$0x5] =	wrdreg $0x9  }
0xb1: {  	_ =	task.clear_ibuf [dreg:s7], $0x6FFFF;
	_ =	strace $0x90000046  }
0xb2: {  	s26 =	simm.s32 $0x9;
	_ =	strace $0x80000048  }
0xb3: {  	_ =	swait.ge [sflag:s26], $0x1  }
0xb4: {  	[sflag:s26] =	ssyncadd.s32 $0xFFFFFFFF  }
0xb5: {  	_ =	strace $0x90000048  }
0xb6: {  	_ =	sfence  }
0xb7: {  	s28 =	sld [smem:$0x0];
	_ =	sdelay $0x1  }
0xb8: {  	s29 =	srdreg.scid  }
0xb9: {  	s30 =	sshll.u32 s29, $0xD;
	s31 =	sshrl.u32 s29, $0x2  }
0xba: {  	s1 =	sand.u32 $0x1, s29;
	s2 =	sand.u32 $0x4000, s30;
	s0 =	sadd.s32 s31, s28  }
0xbb: {  	s1 =	sor.u32 s2, s1;
	s0 =	sshll.u32 s0, $0x11  }
0xbc: {  	s0 =	sor.u32 s0, s1  }
0xbd: {  	s0 =	sadd.s32 $0x8F2B, s0  }
0xbe: {  	[sflag:s0] =	ssyncadd.remote.s32 $0x1  }
0xbf: {  	_ =	sfence.sel $0xFFFF  }
0xc0: {  	[dreg:$0x0] =	wrdreg $0xFFFFFFFF;
	(pc) =	sbr.abs _section_cstart, $3  }
0xc1: {  	[dreg:$0x1] =	wrdreg $0xFFFFFFFF  }
0xc2: {  	_ =	task.clear_ibuf [dreg:s7], $0x2FFFF;
	_ =	strace $0x9FFFFFFF  }
0xc3: {  	(tm) =	ssettm $0x7FFFFFFF  }
tec
execute0_lowered:
.L_overlay_start_1:
0x0: {  	(tag) =	ssettag $0x1  }
0x1: {  	s0 =	rddreg [dreg:$0x0]  }
0x2: {  	s1 =	rddreg [dreg:$0x1]  }
0x3: {  	s2 =	rddreg [dreg:$0x2]  }
0x4: {  	s3 =	rddreg [dreg:$0x3];
	s4 =	simm.s32 $0x0;
	s5 =	stileid.u32  }
0x5: {  	[smem:$0x7FF] =	sst s4;
	s6 =	sshll.u32 s5, $0x7  }
0x6: {  	s30 =	simm.s32 $0x2;
	_ =	strace $0x80000047;
	s1 =	sadd.s32 s1, s6  }
0x7: {  	[tilespmem:s4], [sflag:$0x2] =	stream.linear.gather [hbm4b:s1+s4], $0x400, $0x38;
	[tilespmem:$0x800] =	vst v63  }
0x8: {  	_ =	swait.ge [sflag:s30], $0x400  }
0x9: {  	[sflag:s30] =	ssyncset.done $0x0  }
0xa: {  	s7 =	simm.s32 $0x400;
	s31 =	simm.s32 $0x1;
	[sflag:s30] =	ssyncadd.s32 $0xFFFFFC00  }
0xb: {  	[tilespmem:s7], [sflag:$0x1] =	stream.indirect.gather [hbm4b:s0+s7], $0x1, s4, s7, $0xb8;
	[tilespmem:$0x800] =	vst v63  }
0xc: {  	_ =	swait.ge [sflag:s31], $0x400  }
0xd: {  	[sflag:s31] =	ssyncset.done $0x0  }
0xe: {  	s2 =	sadd.s32 s2, s6;
	[sflag:s31] =	ssyncadd.s32 $0xFFFFFC00  }
0xf: {  	[hbm4b:s2+s4] =	stream.linear.scatter [tilespmem:s7], [sflag:$0x2], $0x400, $0x38;
	[tilespmem:$0x800] =	vst v63  }
0x10: {  	_ =	swait.ge [sflag:s30], $0x400  }
0x11: {  	[sflag:s30] =	ssyncset.done $0x0  }
0x12: {  	[sflag:s30] =	ssyncadd.s32 $0xFFFFFC00  }
0x13: {  	_ =	sfence.sel $0x180000  }
0x14: {  	[bflag:$0x0] =	sbarrier.arrive $0xFFFF  }
0x15: {  	p0 =	sne.s32 s5, $0x0;
	_ =	strace $0x90000047  }
0x16: {  	s0 =	sadd.s32 @!p0 $0x100000, s3;
	[bflag:$0x2] =	sbarrier.arrive $0xFFFF  }
0x17: {  	[sflag:s0] =	ssyncadd.tile.s32 @!p0 $0x1;
	_ =	shalt  }
.Lfunc_end2:
_tile_overlayer_lowered:
.L_overlay_start_2:
0x18: {  	(tag) =	ssettag $0x2  }
0x19: {  	s0 =	rddreg [dreg:$0x0];
	s2 =	stileid.u32  }
0x1a: {  	s1 =	rddreg [dreg:$0x1];
	p0 =	sne.s32 s2, $0x0  }
0x1b: {  	s3 =	rddreg [dreg:$0x2];
	[bflag:$0x3] =	sbarrier.arrive $0xFFFF;
	s2 =	simm.s32 @!p0 $0x1C02  }
0x1c: {  	[timem:s3], [sflag:s2] =	dma.local @!p0 [hbm:s0], s1  }
0x1d: {  	s0 =	simm.s32 @!p0 $0x2  }
0x1e: {  	_ =	swait.ge @!p0 [sflag:s0], s1  }
0x1f: {  	s1 =	ssub.s32 @!p0 $0x0, s1;
	[sflag:s0] =	ssyncset.done @!p0 $0x0  }
0x20: {  	[sflag:s0] =	ssyncadd.s32 @!p0 s1  }
0x21: {  	[bflag:$0x3] =	sbarrier.arrive $0xFFFF  }
0x22: {  	_ =	shalt  }

</sc_bundles>
